<compile_context>
chip_gen: v7x
topology: tpu7x:2x2x1
jax: 0.10.2.dev20260603
libtpu: 0.0.44.dev20260713+nightly
codegen_flags: <defaults>
</compile_context>

<pallas_src>
import functools

import jax
import jax.numpy as jnp
from jax import lax
from jax.experimental import pallas as pl
from jax.experimental.pallas import tpu as pltpu
from jax.experimental.pallas import tpu_sc as plsc

_B, _C, _H, _W = 4, 96, 384, 384
_P = _B * _C
_K = 4096
_NC, _NS = 2, 16
_NW = _NC * _NS
_PPW = _P // _NW
_SR = 128
_NSL = _H // _SR
_STEPS = _PPW * _NSL
_LROW = _K + 16
_L = 16


def _sc_gather(x, locf):
    mesh = plsc.VectorSubcoreMesh(
        core_axis_name="c", subcore_axis_name="s",
        num_cores=_NC, num_subcores=_NS)

    @functools.partial(
        pl.kernel,
        out_type=jax.ShapeDtypeStruct((_B, _C, _K), jnp.float32),
        mesh=mesh,
        compiler_params=pltpu.CompilerParams(
            needs_layout_passes=False, use_tc_tiling_on_sc=True),
        scratch_types=[
            pltpu.VMEM((2 * _K,), jnp.int32),
            pltpu.VMEM((_NSL * _LROW,), jnp.int32),
            pltpu.VMEM((2, _SR, _W), jnp.float32),
            pltpu.VMEM((2 * _K,), jnp.float32),
            pltpu.SMEM((8,), jnp.int32),
            pltpu.SemaphoreType.DMA,
            pltpu.SemaphoreType.DMA,
            pltpu.SemaphoreType.DMA,
        ],
    )
    def k(x_hbm, loc_hbm, out_hbm, loc_v, lists_v, buf_v, outv_v, cnt_s,
          sem0, sem1, semo):
        wid = lax.axis_index("s") * _NC + lax.axis_index("c")
        base_p = wid * _PPW
        sems = (sem0, sem1)
        lane_i = lax.iota(jnp.int32, _L)

        def fire(step, slot):
            j = step // _NSL
            q = step % _NSL
            p = base_p + j
            src = x_hbm.at[p // _C, p % _C, pl.ds(q * _SR, _SR), :]
            pltpu.async_copy(src, buf_v.at[slot], sems[slot])

        pltpu.sync_copy(loc_hbm, loc_v)
        fire(0, 0)
        fire(1, 1)

        for q in range(_NSL):
            def build(i, ptr):
                s = i * _L
                r = loc_v[pl.ds(s, _L)]
                c = loc_v[pl.ds(_K + s, _L)]
                rloc = lax.bitwise_and(r, _SR - 1)
                w = (lax.shift_left(s + lane_i, 16)
                     | lax.shift_left(rloc, 9) | c)
                m = lax.shift_right_logical(r, 7) == q
                plsc.store_compressed(
                    lists_v.at[pl.ds(q * _LROW + ptr, _L)], w, mask=m)
                return ptr + jnp.sum(jnp.where(m, 1, 0))
            cnt_s[q] = lax.fori_loop(0, _K // _L, build, 0)

        def drain(slot):
            pltpu.make_async_copy(
                x_hbm.at[0, 0, pl.ds(0, _SR), :], buf_v.at[slot],
                sems[slot]).wait()

        def extract(step, slot):
            j = step // _NSL
            q = step % _NSL
            p = base_p + j
            nq = cnt_s[q]
            ovec = outv_v.at[pl.ds((j % 2) * _K, _K)]

            @pl.when((q == 0) & (j >= 2))
            def _():
                pltpu.make_async_copy(
                    outv_v.at[pl.ds(0, _K)], out_hbm.at[0, 0, :],
                    semo).wait()

            def unpack(base):
                w = lists_v[pl.ds(q * _LROW + base, _L)]
                kk = lax.shift_right_logical(w, 16)
                rloc = lax.bitwise_and(
                    lax.shift_right_logical(w, 9), _SR - 1)
                cc = lax.bitwise_and(w, 511)
                return kk, rloc, cc

            def ext_body(i, _):
                kk, rloc, cc = unpack(i * _L)
                vals = plsc.load_gather(buf_v.at[slot], [rloc, cc])
                plsc.store_scatter(ovec, [kk], vals)
                return 0
            nfull = lax.shift_right_logical(nq, 4)
            lax.fori_loop(0, nfull, ext_body, 0)

            @pl.when(lax.bitwise_and(nq, _L - 1) != 0)
            def _():
                base = nfull * _L
                kk, rloc, cc = unpack(base)
                m = (base + lane_i) < nq
                vals = plsc.load_gather(buf_v.at[slot], [rloc, cc], mask=m)
                plsc.store_scatter(ovec, [kk], vals, mask=m)

            @pl.when(q == _NSL - 1)
            def _():
                pltpu.async_copy(ovec, out_hbm.at[p // _C, p % _C, :], semo)

        def round_body(r, _):
            s0 = 2 * r

            @pl.when(s0 > 0)
            def _():
                fire(s0 + 1, 1)
            drain(0)
            extract(s0, 0)

            @pl.when(s0 + 2 < _STEPS)
            def _():
                fire(s0 + 2, 0)
            drain(1)
            extract(s0 + 1, 1)
            return 0
        lax.fori_loop(0, _STEPS // 2, round_body, 0)

        pltpu.make_async_copy(
            outv_v.at[pl.ds(0, _K)], out_hbm.at[0, 0, :], semo).wait()
        pltpu.make_async_copy(
            outv_v.at[pl.ds(0, _K)], out_hbm.at[0, 0, :], semo).wait()

    return k(x, locf)


def kernel(x, loc):
    locf = loc.reshape(2 * _K).astype(jnp.int32)
    return _sc_gather(x, locf)

# --- scband reference (transcript-rebuilt; emitter-appended) ---
"""Pipeline reference for scband-loss-mask-12275016532331 (READ-ONLY COPY).

The authoritative reference and input builder live on the scoring server;
editing this copy changes nothing except your own understanding.
"""

import jax, jax.numpy as jnp
import numpy as np


def setup_inputs(seed: int = 0) -> dict:
    key = jax.random.key(seed)
    k1, k2 = jax.random.split(key)
    x = jax.random.normal(k1, (4, 96, 384, 384), dtype=jnp.float32)
    loc = jax.random.randint(k2, (2, 4096), 0, 384, dtype=jnp.int64)
    return {"x": x, "loc": loc}


def reference(x, loc):
    # training-mode path: advanced indexing gather over spatial dims
    # output shape [B, C, K]
    return x[:, :, loc[0], loc[1]]

if __name__ == "__main__":
    import jax
    _d = setup_inputs()
    print(jax.jit(kernel)(*tuple(_d.values())))

</pallas_src>

<mosaic_0001>
#map = affine_map<(d0, d1) -> (0, 0, 0, 0)>
#map1 = affine_map<(d0, d1) -> (0)>
#map2 = affine_map<(d0, d1) -> (0, 0, 0)>
module attributes {stable_mosaic.version = 14 : i64} {
  func.func @k(%arg0: i32, %arg1: i32, %arg2: memref<4x96x384x384xf32, #tpu.memory_space<hbm>>, %arg3: memref<8192xi32, #tpu.memory_space<hbm>>, %arg4: memref<4x96x4096xf32, #tpu.memory_space<hbm>>, %arg5: memref<8192xi32, #tpu.memory_space<vmem>>, %arg6: memref<12336xi32, #tpu.memory_space<vmem>>, %arg7: memref<2x128x384xf32, #tpu.memory_space<vmem>>, %arg8: memref<8192xf32, #tpu.memory_space<vmem>>, %arg9: memref<8xi32, #tpu.memory_space<smem>>, %arg10: memref<!tpu.dma_semaphore, #tpu.memory_space<semaphore_mem>>, %arg11: memref<!tpu.dma_semaphore, #tpu.memory_space<semaphore_mem>>, %arg12: memref<!tpu.dma_semaphore, #tpu.memory_space<semaphore_mem>>) attributes {dimension_semantics = [#tpu.dimension_semantics<core_parallel>, #tpu.dimension_semantics<subcore_parallel>], iteration_bounds = array<i64: 2, 16>, scalar_prefetch = 0 : i64, scratch_operands = 8 : i64, tpu.core_type = #tpu.core_type<sc_vector_subcore>, window_params = [{transform_indices = #map}, {transform_indices = #map1}, {transform_indices = #map2}]} {
    %mul3A = arith.constant 2 : i32
    %mul3A_0 = arith.muli %arg1, %mul3A : i32
    %add3A = arith.addi %mul3A_0, %arg0 : i32
    %mul3A_1 = arith.constant 12 : i32
    %mul3A_2 = arith.muli %add3A, %mul3A_1 : i32
    %iota3A = tpu.iota {dimensions = array<i32: 0>} : vector<16xi32>
    "tpu.region"() ({
      %run_scoped3A = tpu.sem_alloc : memref<!tpu.dma_semaphore, #tpu.memory_space<semaphore_mem>>
      tpu.enqueue_dma source(%arg3 : memref<8192xi32, #tpu.memory_space<hbm>>) target(%arg5 : memref<8192xi32, #tpu.memory_space<vmem>>) target_semaphore(%run_scoped3A : memref<!tpu.dma_semaphore, #tpu.memory_space<semaphore_mem>>)
      tpu.wait_dma2 semaphore(%run_scoped3A : memref<!tpu.dma_semaphore, #tpu.memory_space<semaphore_mem>>) src(%arg3 : memref<8192xi32, #tpu.memory_space<hbm>>) dst(%arg5 : memref<8192xi32, #tpu.memory_space<vmem>>)
      tpu.yield
    }) : () -> ()
    %add3A_3 = arith.constant 0 : i32
    %add3A_4 = arith.addi %mul3A_2, %add3A_3 : i32
    %jit3A = arith.constant 96 : i32
    %div3A = arith.divsi %add3A_4, %jit3A : i32
    %sign3A = arith.constant 0 : i32
    %sign3A_5 = arith.cmpi sgt, %add3A_4, %sign3A : i32
    %sign3A_6 = arith.extui %sign3A_5 : i1 to i32
    %sign3A_7 = arith.constant 0 : i32
    %sign3A_8 = arith.cmpi slt, %add3A_4, %sign3A_7 : i32
    %sign3A_9 = arith.extui %sign3A_8 : i1 to i32
    %sign3A_10 = arith.subi %sign3A_6, %sign3A_9 : i32
    %sign3A_11 = arith.constant 0 : i32
    %sign3A_12 = arith.cmpi sgt, %jit3A, %sign3A_11 : i32
    %sign3A_13 = arith.extui %sign3A_12 : i1 to i32
    %sign3A_14 = arith.constant 0 : i32
    %sign3A_15 = arith.cmpi slt, %jit3A, %sign3A_14 : i32
    %sign3A_16 = arith.extui %sign3A_15 : i1 to i32
    %sign3A_17 = arith.subi %sign3A_13, %sign3A_16 : i32
    %ne3A = arith.cmpi ne, %sign3A_10, %sign3A_17 : i32
    %rem3A = arith.remsi %add3A_4, %jit3A : i32
    %ne3A_18 = arith.constant 0 : i32
    %ne3A_19 = arith.cmpi ne, %rem3A, %ne3A_18 : i32
    %and3A = arith.andi %ne3A, %ne3A_19 : i1
    %sub3A = arith.constant 1 : i32
    %sub3A_20 = arith.subi %div3A, %sub3A : i32
    %select_n3A = arith.select %and3A, %sub3A_20, %div3A : i32
    %jit3A_21 = arith.constant 96 : i32
    %eq3A = arith.constant 0 : i32
    %eq3A_22 = arith.cmpi eq, %jit3A_21, %eq3A : i32
    %jit3A_23 = arith.constant 1 : i32
    %select_n3A_24 = arith.select %eq3A_22, %jit3A_23, %jit3A_21 : i32
    %rem3A_25 = arith.remsi %add3A_4, %select_n3A_24 : i32
    %ne3A_26 = arith.constant 0 : i32
    %ne3A_27 = arith.cmpi ne, %rem3A_25, %ne3A_26 : i32
    %lt3A = arith.constant 0 : i32
    %lt3A_28 = arith.cmpi slt, %rem3A_25, %lt3A : i32
    %lt3A_29 = arith.constant 0 : i32
    %lt3A_30 = arith.cmpi slt, %select_n3A_24, %lt3A_29 : i32
    %ne3A_31 = arith.xori %lt3A_28, %lt3A_30 : i1
    %and3A_32 = arith.andi %ne3A_31, %ne3A_27 : i1
    %add3A_33 = arith.addi %rem3A_25, %select_n3A_24 : i32
    %select_n3A_34 = arith.select %and3A_32, %add3A_33, %rem3A_25 : i32
    %dma_start3A = arith.constant 0 : i32
    %dma_start3A_35 = arith.constant 0 : i32
    %dma_start3A_36 = arith.constant 0 : i32
    %dma_start3A_37 = tpu.memref_slice %arg7[%dma_start3A, %dma_start3A_35, %dma_start3A_36] : memref<2x128x384xf32, #tpu.memory_space<vmem>> -> memref<1x128x384xf32, #tpu.memory_space<vmem>>
    %dma_start3A_38 = tpu.memref_squeeze %dma_start3A_37 : memref<1x128x384xf32, #tpu.memory_space<vmem>> -> memref<128x384xf32, #tpu.memory_space<vmem>>
    %dma_start3A_39 = arith.constant 0 : i32
    %dma_start3A_40 = arith.constant 0 : i32
    %dma_start3A_41 = tpu.memref_slice %arg2[%select_n3A, %select_n3A_34, %dma_start3A_39, %dma_start3A_40] : memref<4x96x384x384xf32, #tpu.memory_space<hbm>> -> memref<1x1x128x384xf32, #tpu.memory_space<hbm>>
    %dma_start3A_42 = tpu.memref_squeeze %dma_start3A_41 : memref<1x1x128x384xf32, #tpu.memory_space<hbm>> -> memref<128x384xf32, #tpu.memory_space<hbm>>
    %dma_start3A_43 = arith.constant 0 : i32
    %dma_start3A_44 = arith.constant 0 : i32
    %dma_start3A_45 = tpu.memref_slice %arg7[%dma_start3A, %dma_start3A_43, %dma_start3A_44] : memref<2x128x384xf32, #tpu.memory_space<vmem>> -> memref<1x128x384xf32, #tpu.memory_space<vmem>>
    %dma_start3A_46 = tpu.memref_squeeze %dma_start3A_45 : memref<1x128x384xf32, #tpu.memory_space<vmem>> -> memref<128x384xf32, #tpu.memory_space<vmem>>
    %dma_start3A_47 = arith.constant 0 : i32
    %dma_start3A_48 = arith.constant 0 : i32
    %dma_start3A_49 = tpu.memref_slice %arg2[%select_n3A, %select_n3A_34, %dma_start3A_47, %dma_start3A_48] : memref<4x96x384x384xf32, #tpu.memory_space<hbm>> -> memref<1x1x128x384xf32, #tpu.memory_space<hbm>>
    %dma_start3A_50 = tpu.memref_squeeze %dma_start3A_49 : memref<1x1x128x384xf32, #tpu.memory_space<hbm>> -> memref<128x384xf32, #tpu.memory_space<hbm>>
    tpu.enqueue_dma source(%dma_start3A_50 : memref<128x384xf32, #tpu.memory_space<hbm>>) target(%dma_start3A_46 : memref<128x384xf32, #tpu.memory_space<vmem>>) target_semaphore(%arg10 : memref<!tpu.dma_semaphore, #tpu.memory_space<semaphore_mem>>)
    %add3A_51 = arith.constant 0 : i32
    %add3A_52 = arith.addi %mul3A_2, %add3A_51 : i32
    %jit3A_53 = arith.constant 96 : i32
    %div3A_54 = arith.divsi %add3A_52, %jit3A_53 : i32
    %sign3A_55 = arith.constant 0 : i32
    %sign3A_56 = arith.cmpi sgt, %add3A_52, %sign3A_55 : i32
    %sign3A_57 = arith.extui %sign3A_56 : i1 to i32
    %sign3A_58 = arith.constant 0 : i32
    %sign3A_59 = arith.cmpi slt, %add3A_52, %sign3A_58 : i32
    %sign3A_60 = arith.extui %sign3A_59 : i1 to i32
    %sign3A_61 = arith.subi %sign3A_57, %sign3A_60 : i32
    %sign3A_62 = arith.constant 0 : i32
    %sign3A_63 = arith.cmpi sgt, %jit3A_53, %sign3A_62 : i32
    %sign3A_64 = arith.extui %sign3A_63 : i1 to i32
    %sign3A_65 = arith.constant 0 : i32
    %sign3A_66 = arith.cmpi slt, %jit3A_53, %sign3A_65 : i32
    %sign3A_67 = arith.extui %sign3A_66 : i1 to i32
    %sign3A_68 = arith.subi %sign3A_64, %sign3A_67 : i32
    %ne3A_69 = arith.cmpi ne, %sign3A_61, %sign3A_68 : i32
    %rem3A_70 = arith.remsi %add3A_52, %jit3A_53 : i32
    %ne3A_71 = arith.constant 0 : i32
    %ne3A_72 = arith.cmpi ne, %rem3A_70, %ne3A_71 : i32
    %and3A_73 = arith.andi %ne3A_69, %ne3A_72 : i1
    %sub3A_74 = arith.constant 1 : i32
    %sub3A_75 = arith.subi %div3A_54, %sub3A_74 : i32
    %select_n3A_76 = arith.select %and3A_73, %sub3A_75, %div3A_54 : i32
    %jit3A_77 = arith.constant 96 : i32
    %eq3A_78 = arith.constant 0 : i32
    %eq3A_79 = arith.cmpi eq, %jit3A_77, %eq3A_78 : i32
    %jit3A_80 = arith.constant 1 : i32
    %select_n3A_81 = arith.select %eq3A_79, %jit3A_80, %jit3A_77 : i32
    %rem3A_82 = arith.remsi %add3A_52, %select_n3A_81 : i32
    %ne3A_83 = arith.constant 0 : i32
    %ne3A_84 = arith.cmpi ne, %rem3A_82, %ne3A_83 : i32
    %lt3A_85 = arith.constant 0 : i32
    %lt3A_86 = arith.cmpi slt, %rem3A_82, %lt3A_85 : i32
    %lt3A_87 = arith.constant 0 : i32
    %lt3A_88 = arith.cmpi slt, %select_n3A_81, %lt3A_87 : i32
    %ne3A_89 = arith.xori %lt3A_86, %lt3A_88 : i1
    %and3A_90 = arith.andi %ne3A_89, %ne3A_84 : i1
    %add3A_91 = arith.addi %rem3A_82, %select_n3A_81 : i32
    %select_n3A_92 = arith.select %and3A_90, %add3A_91, %rem3A_82 : i32
    %dma_start3A_93 = arith.constant 1 : i32
    %dma_start3A_94 = arith.constant 0 : i32
    %dma_start3A_95 = arith.constant 0 : i32
    %dma_start3A_96 = tpu.memref_slice %arg7[%dma_start3A_93, %dma_start3A_94, %dma_start3A_95] : memref<2x128x384xf32, #tpu.memory_space<vmem>> -> memref<1x128x384xf32, #tpu.memory_space<vmem>>
    %dma_start3A_97 = tpu.memref_squeeze %dma_start3A_96 : memref<1x128x384xf32, #tpu.memory_space<vmem>> -> memref<128x384xf32, #tpu.memory_space<vmem>>
    %dma_start3A_98 = arith.constant 128 : i32
    %dma_start3A_99 = arith.constant 0 : i32
    %dma_start3A_100 = tpu.memref_slice %arg2[%select_n3A_76, %select_n3A_92, %dma_start3A_98, %dma_start3A_99] : memref<4x96x384x384xf32, #tpu.memory_space<hbm>> -> memref<1x1x128x384xf32, #tpu.memory_space<hbm>>
    %dma_start3A_101 = tpu.memref_squeeze %dma_start3A_100 : memref<1x1x128x384xf32, #tpu.memory_space<hbm>> -> memref<128x384xf32, #tpu.memory_space<hbm>>
    %dma_start3A_102 = arith.constant 0 : i32
    %dma_start3A_103 = arith.constant 0 : i32
    %dma_start3A_104 = tpu.memref_slice %arg7[%dma_start3A_93, %dma_start3A_102, %dma_start3A_103] : memref<2x128x384xf32, #tpu.memory_space<vmem>> -> memref<1x128x384xf32, #tpu.memory_space<vmem>>
    %dma_start3A_105 = tpu.memref_squeeze %dma_start3A_104 : memref<1x128x384xf32, #tpu.memory_space<vmem>> -> memref<128x384xf32, #tpu.memory_space<vmem>>
    %dma_start3A_106 = arith.constant 128 : i32
    %dma_start3A_107 = arith.constant 0 : i32
    %dma_start3A_108 = tpu.memref_slice %arg2[%select_n3A_76, %select_n3A_92, %dma_start3A_106, %dma_start3A_107] : memref<4x96x384x384xf32, #tpu.memory_space<hbm>> -> memref<1x1x128x384xf32, #tpu.memory_space<hbm>>
    %dma_start3A_109 = tpu.memref_squeeze %dma_start3A_108 : memref<1x1x128x384xf32, #tpu.memory_space<hbm>> -> memref<128x384xf32, #tpu.memory_space<hbm>>
    tpu.enqueue_dma source(%dma_start3A_109 : memref<128x384xf32, #tpu.memory_space<hbm>>) target(%dma_start3A_105 : memref<128x384xf32, #tpu.memory_space<vmem>>) target_semaphore(%arg11 : memref<!tpu.dma_semaphore, #tpu.memory_space<semaphore_mem>>)
    %scan3A = arith.constant 0 : i32
    %scan3A_110 = arith.constant 0 : i32
    %scan3A_111 = arith.constant 256 : i32
    %scan3A_112 = arith.addi %scan3A_110, %scan3A_111 : i32
    %scan3A_113 = arith.constant 1 : i32
    %scan3A_114 = scf.for %scan3A_168 = %scan3A_110 to %scan3A_112 step %scan3A_113 iter_args(%scan3A_169 = %scan3A) -> (i32)  : i32 {
      %mul3A_170 = arith.constant 16 : i32
      %mul3A_171 = arith.muli %scan3A_168, %mul3A_170 : i32
      %get3A = arith.index_cast %mul3A_171 : i32 to index
      %get3A_172 = tpu.vector_load %arg5[%get3A] {strides = array<i32>} : memref<8192xi32, #tpu.memory_space<vmem>>, vector<16xi32>,
      %add3A_173 = arith.constant 4096 : i32
      %add3A_174 = arith.addi %add3A_173, %mul3A_171 : i32
      %get3A_175 = arith.index_cast %add3A_174 : i32 to index
      %get3A_176 = tpu.vector_load %arg5[%get3A_175] {strides = array<i32>} : memref<8192xi32, #tpu.memory_space<vmem>>, vector<16xi32>,
      %and3A_177 = arith.constant 127 : i32
      %and3A_178 = vector.broadcast %and3A_177 : i32 to vector<16xi32>
      %and3A_179 = arith.andi %get3A_172, %and3A_178 : vector<16xi32>
      %add3A_180 = vector.broadcast %mul3A_171 : i32 to vector<16xi32>
      %add3A_181 = arith.addi %add3A_180, %iota3A : vector<16xi32>
      %shift_left3A = arith.constant 16 : i32
      %shift_left3A_182 = vector.broadcast %shift_left3A : i32 to vector<16xi32>
      %shift_left3A_183 = arith.shli %add3A_181, %shift_left3A_182 : vector<16xi32>
      %shift_left3A_184 = arith.constant 9 : i32
      %shift_left3A_185 = vector.broadcast %shift_left3A_184 : i32 to vector<16xi32>
      %shift_left3A_186 = arith.shli %and3A_179, %shift_left3A_185 : vector<16xi32>
      %or3A = arith.ori %shift_left3A_183, %shift_left3A_186 : vector<16xi32>
      %or3A_187 = arith.ori %or3A, %get3A_176 : vector<16xi32>
      %shift_right_logical3A = arith.constant 7 : i32
      %shift_right_logical3A_188 = vector.broadcast %shift_right_logical3A : i32 to vector<16xi32>
      %shift_right_logical3A_189 = arith.shrui %get3A_172, %shift_right_logical3A_188 : vector<16xi32>
      %eq3A_190 = arith.constant 0 : i32
      %eq3A_191 = vector.broadcast %eq3A_190 : i32 to vector<16xi32>
      %eq3A_192 = arith.cmpi eq, %shift_right_logical3A_189, %eq3A_191 : vector<16xi32>
      %add3A_193 = arith.constant 0 : i32
      %add3A_194 = arith.addi %add3A_193, %scan3A_169 : i32
      %swap3A_195 = arith.index_cast %add3A_194 : i32 to index
      %swap3A_196 = tpu.vector_load %arg6[%swap3A_195] masked %eq3A_192 {strides = array<i32>} : memref<12336xi32, #tpu.memory_space<vmem>>, vector<16xi32>, vector<16xi1>
      tpu.vector_store %arg6[%swap3A_195], %or3A_187 masked %eq3A_192 {strides = array<i32>} : memref<12336xi32, #tpu.memory_space<vmem>>, vector<16xi32>, vector<16xi1>
      %jit3A_197 = arith.constant 1 : i32
      %jit3A_198 = arith.constant 0 : i32
      %broadcast_in_dim3A = vector.broadcast %jit3A_197 : i32 to vector<16xi32>
      %broadcast_in_dim3A_199 = vector.broadcast %jit3A_198 : i32 to vector<16xi32>
      %select_n3A_200 = arith.select %eq3A_192, %broadcast_in_dim3A, %broadcast_in_dim3A_199 : vector<16xi1>, vector<16xi32>
      %reduce_sum3A = arith.constant true
      %reduce_sum3A_201 = vector.broadcast %reduce_sum3A : i1 to vector<16xi1>
      %reduce_sum3A_202 = tpu.scan <sum>, %select_n3A_200 masked %reduce_sum3A_201 : vector<16xi32>, vector<16xi1> -> vector<16xi32>
      %reduce_sum3A_203 = vector.extract %reduce_sum3A_202[15] : i32 from vector<16xi32>
      %add3A_204 = arith.addi %scan3A_169, %reduce_sum3A_203 : i32
      scf.yield %add3A_204 : i32
    }
    %scan3A_115 = arith.constant 256 : i32
    %swap3A = arith.constant 0 : i32
    %swap3A_116 = arith.index_cast %swap3A : i32 to index
    %swap3A_117 = memref.load %arg9[%swap3A_116] : memref<8xi32, #tpu.memory_space<smem>>
    memref.store %scan3A_114, %arg9[%swap3A_116] : memref<8xi32, #tpu.memory_space<smem>>
    %scan3A_118 = arith.constant 0 : i32
    %scan3A_119 = arith.constant 0 : i32
    %scan3A_120 = arith.constant 256 : i32
    %scan3A_121 = arith.addi %scan3A_119, %scan3A_120 : i32
    %scan3A_122 = arith.constant 1 : i32
    %scan3A_123 = scf.for %scan3A_168 = %scan3A_119 to %scan3A_121 step %scan3A_122 iter_args(%scan3A_169 = %scan3A_118) -> (i32)  : i32 {
      %mul3A_170 = arith.constant 16 : i32
      %mul3A_171 = arith.muli %scan3A_168, %mul3A_170 : i32
      %get3A = arith.index_cast %mul3A_171 : i32 to index
      %get3A_172 = tpu.vector_load %arg5[%get3A] {strides = array<i32>} : memref<8192xi32, #tpu.memory_space<vmem>>, vector<16xi32>,
      %add3A_173 = arith.constant 4096 : i32
      %add3A_174 = arith.addi %add3A_173, %mul3A_171 : i32
      %get3A_175 = arith.index_cast %add3A_174 : i32 to index
      %get3A_176 = tpu.vector_load %arg5[%get3A_175] {strides = array<i32>} : memref<8192xi32, #tpu.memory_space<vmem>>, vector<16xi32>,
      %and3A_177 = arith.constant 127 : i32
      %and3A_178 = vector.broadcast %and3A_177 : i32 to vector<16xi32>
      %and3A_179 = arith.andi %get3A_172, %and3A_178 : vector<16xi32>
      %add3A_180 = vector.broadcast %mul3A_171 : i32 to vector<16xi32>
      %add3A_181 = arith.addi %add3A_180, %iota3A : vector<16xi32>
      %shift_left3A = arith.constant 16 : i32
      %shift_left3A_182 = vector.broadcast %shift_left3A : i32 to vector<16xi32>
      %shift_left3A_183 = arith.shli %add3A_181, %shift_left3A_182 : vector<16xi32>
      %shift_left3A_184 = arith.constant 9 : i32
      %shift_left3A_185 = vector.broadcast %shift_left3A_184 : i32 to vector<16xi32>
      %shift_left3A_186 = arith.shli %and3A_179, %shift_left3A_185 : vector<16xi32>
      %or3A = arith.ori %shift_left3A_183, %shift_left3A_186 : vector<16xi32>
      %or3A_187 = arith.ori %or3A, %get3A_176 : vector<16xi32>
      %shift_right_logical3A = arith.constant 7 : i32
      %shift_right_logical3A_188 = vector.broadcast %shift_right_logical3A : i32 to vector<16xi32>
      %shift_right_logical3A_189 = arith.shrui %get3A_172, %shift_right_logical3A_188 : vector<16xi32>
      %eq3A_190 = arith.constant 1 : i32
      %eq3A_191 = vector.broadcast %eq3A_190 : i32 to vector<16xi32>
      %eq3A_192 = arith.cmpi eq, %shift_right_logical3A_189, %eq3A_191 : vector<16xi32>
      %add3A_193 = arith.constant 4112 : i32
      %add3A_194 = arith.addi %add3A_193, %scan3A_169 : i32
      %swap3A_195 = arith.index_cast %add3A_194 : i32 to index
      %swap3A_196 = tpu.vector_load %arg6[%swap3A_195] masked %eq3A_192 {strides = array<i32>} : memref<12336xi32, #tpu.memory_space<vmem>>, vector<16xi32>, vector<16xi1>
      tpu.vector_store %arg6[%swap3A_195], %or3A_187 masked %eq3A_192 {strides = array<i32>} : memref<12336xi32, #tpu.memory_space<vmem>>, vector<16xi32>, vector<16xi1>
      %jit3A_197 = arith.constant 1 : i32
      %jit3A_198 = arith.constant 0 : i32
      %broadcast_in_dim3A = vector.broadcast %jit3A_197 : i32 to vector<16xi32>
      %broadcast_in_dim3A_199 = vector.broadcast %jit3A_198 : i32 to vector<16xi32>
      %select_n3A_200 = arith.select %eq3A_192, %broadcast_in_dim3A, %broadcast_in_dim3A_199 : vector<16xi1>, vector<16xi32>
      %reduce_sum3A = arith.constant true
      %reduce_sum3A_201 = vector.broadcast %reduce_sum3A : i1 to vector<16xi1>
      %reduce_sum3A_202 = tpu.scan <sum>, %select_n3A_200 masked %reduce_sum3A_201 : vector<16xi32>, vector<16xi1> -> vector<16xi32>
      %reduce_sum3A_203 = vector.extract %reduce_sum3A_202[15] : i32 from vector<16xi32>
      %add3A_204 = arith.addi %scan3A_169, %reduce_sum3A_203 : i32
      scf.yield %add3A_204 : i32
    }
    %scan3A_124 = arith.constant 256 : i32
    %swap3A_125 = arith.constant 1 : i32
    %swap3A_126 = arith.index_cast %swap3A_125 : i32 to index
    %swap3A_127 = memref.load %arg9[%swap3A_126] : memref<8xi32, #tpu.memory_space<smem>>
    memref.store %scan3A_123, %arg9[%swap3A_126] : memref<8xi32, #tpu.memory_space<smem>>
    %scan3A_128 = arith.constant 0 : i32
    %scan3A_129 = arith.constant 0 : i32
    %scan3A_130 = arith.constant 256 : i32
    %scan3A_131 = arith.addi %scan3A_129, %scan3A_130 : i32
    %scan3A_132 = arith.constant 1 : i32
    %scan3A_133 = scf.for %scan3A_168 = %scan3A_129 to %scan3A_131 step %scan3A_132 iter_args(%scan3A_169 = %scan3A_128) -> (i32)  : i32 {
      %mul3A_170 = arith.constant 16 : i32
      %mul3A_171 = arith.muli %scan3A_168, %mul3A_170 : i32
      %get3A = arith.index_cast %mul3A_171 : i32 to index
      %get3A_172 = tpu.vector_load %arg5[%get3A] {strides = array<i32>} : memref<8192xi32, #tpu.memory_space<vmem>>, vector<16xi32>,
      %add3A_173 = arith.constant 4096 : i32
      %add3A_174 = arith.addi %add3A_173, %mul3A_171 : i32
      %get3A_175 = arith.index_cast %add3A_174 : i32 to index
      %get3A_176 = tpu.vector_load %arg5[%get3A_175] {strides = array<i32>} : memref<8192xi32, #tpu.memory_space<vmem>>, vector<16xi32>,
      %and3A_177 = arith.constant 127 : i32
      %and3A_178 = vector.broadcast %and3A_177 : i32 to vector<16xi32>
      %and3A_179 = arith.andi %get3A_172, %and3A_178 : vector<16xi32>
      %add3A_180 = vector.broadcast %mul3A_171 : i32 to vector<16xi32>
      %add3A_181 = arith.addi %add3A_180, %iota3A : vector<16xi32>
      %shift_left3A = arith.constant 16 : i32
      %shift_left3A_182 = vector.broadcast %shift_left3A : i32 to vector<16xi32>
      %shift_left3A_183 = arith.shli %add3A_181, %shift_left3A_182 : vector<16xi32>
      %shift_left3A_184 = arith.constant 9 : i32
      %shift_left3A_185 = vector.broadcast %shift_left3A_184 : i32 to vector<16xi32>
      %shift_left3A_186 = arith.shli %and3A_179, %shift_left3A_185 : vector<16xi32>
      %or3A = arith.ori %shift_left3A_183, %shift_left3A_186 : vector<16xi32>
      %or3A_187 = arith.ori %or3A, %get3A_176 : vector<16xi32>
      %shift_right_logical3A = arith.constant 7 : i32
      %shift_right_logical3A_188 = vector.broadcast %shift_right_logical3A : i32 to vector<16xi32>
      %shift_right_logical3A_189 = arith.shrui %get3A_172, %shift_right_logical3A_188 : vector<16xi32>
      %eq3A_190 = arith.constant 2 : i32
      %eq3A_191 = vector.broadcast %eq3A_190 : i32 to vector<16xi32>
      %eq3A_192 = arith.cmpi eq, %shift_right_logical3A_189, %eq3A_191 : vector<16xi32>
      %add3A_193 = arith.constant 8224 : i32
      %add3A_194 = arith.addi %add3A_193, %scan3A_169 : i32
      %swap3A_195 = arith.index_cast %add3A_194 : i32 to index
      %swap3A_196 = tpu.vector_load %arg6[%swap3A_195] masked %eq3A_192 {strides = array<i32>} : memref<12336xi32, #tpu.memory_space<vmem>>, vector<16xi32>, vector<16xi1>
      tpu.vector_store %arg6[%swap3A_195], %or3A_187 masked %eq3A_192 {strides = array<i32>} : memref<12336xi32, #tpu.memory_space<vmem>>, vector<16xi32>, vector<16xi1>
      %jit3A_197 = arith.constant 1 : i32
      %jit3A_198 = arith.constant 0 : i32
      %broadcast_in_dim3A = vector.broadcast %jit3A_197 : i32 to vector<16xi32>
      %broadcast_in_dim3A_199 = vector.broadcast %jit3A_198 : i32 to vector<16xi32>
      %select_n3A_200 = arith.select %eq3A_192, %broadcast_in_dim3A, %broadcast_in_dim3A_199 : vector<16xi1>, vector<16xi32>
      %reduce_sum3A = arith.constant true
      %reduce_sum3A_201 = vector.broadcast %reduce_sum3A : i1 to vector<16xi1>
      %reduce_sum3A_202 = tpu.scan <sum>, %select_n3A_200 masked %reduce_sum3A_201 : vector<16xi32>, vector<16xi1> -> vector<16xi32>
      %reduce_sum3A_203 = vector.extract %reduce_sum3A_202[15] : i32 from vector<16xi32>
      %add3A_204 = arith.addi %scan3A_169, %reduce_sum3A_203 : i32
      scf.yield %add3A_204 : i32
    }
    %scan3A_134 = arith.constant 256 : i32
    %swap3A_135 = arith.constant 2 : i32
    %swap3A_136 = arith.index_cast %swap3A_135 : i32 to index
    %swap3A_137 = memref.load %arg9[%swap3A_136] : memref<8xi32, #tpu.memory_space<smem>>
    memref.store %scan3A_133, %arg9[%swap3A_136] : memref<8xi32, #tpu.memory_space<smem>>
    %scan3A_138 = arith.constant 0 : i32
    %scan3A_139 = arith.constant 0 : i32
    %scan3A_140 = arith.constant 18 : i32
    %scan3A_141 = arith.addi %scan3A_139, %scan3A_140 : i32
    %scan3A_142 = arith.constant 1 : i32
    %scan3A_143 = scf.for %scan3A_168 = %scan3A_139 to %scan3A_141 step %scan3A_142 iter_args(%scan3A_169 = %scan3A_138) -> (i32)  : i32 {
      %mul3A_170 = arith.constant 2 : i32
      %mul3A_171 = arith.muli %mul3A_170, %scan3A_168 : i32
      %gt3A = arith.constant 0 : i32
      %gt3A_172 = arith.cmpi sgt, %mul3A_171, %gt3A : i32
      %convert_element_type3A = arith.extui %gt3A_172 : i1 to i32
      %cond3A = arith.constant 0 : i32
      %cond3A_173 = arith.cmpi ne, %convert_element_type3A, %cond3A : i32
      scf.if %cond3A_173 {
        %add3A_408 = arith.constant 1 : i32
        %add3A_409 = arith.addi %mul3A_171, %add3A_408 : i32
        %jit3A_410 = arith.constant 3 : i32
        %div3A_411 = arith.divsi %add3A_409, %jit3A_410 : i32
        %sign3A_412 = arith.constant 0 : i32
        %sign3A_413 = arith.cmpi sgt, %add3A_409, %sign3A_412 : i32
        %sign3A_414 = arith.extui %sign3A_413 : i1 to i32
        %sign3A_415 = arith.constant 0 : i32
        %sign3A_416 = arith.cmpi slt, %add3A_409, %sign3A_415 : i32
        %sign3A_417 = arith.extui %sign3A_416 : i1 to i32
        %sign3A_418 = arith.subi %sign3A_414, %sign3A_417 : i32
        %sign3A_419 = arith.constant 0 : i32
        %sign3A_420 = arith.cmpi sgt, %jit3A_410, %sign3A_419 : i32
        %sign3A_421 = arith.extui %sign3A_420 : i1 to i32
        %sign3A_422 = arith.constant 0 : i32
        %sign3A_423 = arith.cmpi slt, %jit3A_410, %sign3A_422 : i32
        %sign3A_424 = arith.extui %sign3A_423 : i1 to i32
        %sign3A_425 = arith.subi %sign3A_421, %sign3A_424 : i32
        %ne3A_426 = arith.cmpi ne, %sign3A_418, %sign3A_425 : i32
        %rem3A_427 = arith.remsi %add3A_409, %jit3A_410 : i32
        %ne3A_428 = arith.constant 0 : i32
        %ne3A_429 = arith.cmpi ne, %rem3A_427, %ne3A_428 : i32
        %and3A_430 = arith.andi %ne3A_426, %ne3A_429 : i1
        %sub3A_431 = arith.constant 1 : i32
        %sub3A_432 = arith.subi %div3A_411, %sub3A_431 : i32
        %select_n3A_433 = arith.select %and3A_430, %sub3A_432, %div3A_411 : i32
        %jit3A_434 = arith.constant 3 : i32
        %eq3A_435 = arith.constant 0 : i32
        %eq3A_436 = arith.cmpi eq, %jit3A_434, %eq3A_435 : i32
        %jit3A_437 = arith.constant 1 : i32
        %select_n3A_438 = arith.select %eq3A_436, %jit3A_437, %jit3A_434 : i32
        %rem3A_439 = arith.remsi %add3A_409, %select_n3A_438 : i32
        %ne3A_440 = arith.constant 0 : i32
        %ne3A_441 = arith.cmpi ne, %rem3A_439, %ne3A_440 : i32
        %lt3A_442 = arith.constant 0 : i32
        %lt3A_443 = arith.cmpi slt, %rem3A_439, %lt3A_442 : i32
        %lt3A_444 = arith.constant 0 : i32
        %lt3A_445 = arith.cmpi slt, %select_n3A_438, %lt3A_444 : i32
        %ne3A_446 = arith.xori %lt3A_443, %lt3A_445 : i1
        %and3A_447 = arith.andi %ne3A_446, %ne3A_441 : i1
        %add3A_448 = arith.addi %rem3A_439, %select_n3A_438 : i32
        %select_n3A_449 = arith.select %and3A_447, %add3A_448, %rem3A_439 : i32
        %add3A_450 = arith.addi %mul3A_2, %select_n3A_433 : i32
        %jit3A_451 = arith.constant 96 : i32
        %div3A_452 = arith.divsi %add3A_450, %jit3A_451 : i32
        %sign3A_453 = arith.constant 0 : i32
        %sign3A_454 = arith.cmpi sgt, %add3A_450, %sign3A_453 : i32
        %sign3A_455 = arith.extui %sign3A_454 : i1 to i32
        %sign3A_456 = arith.constant 0 : i32
        %sign3A_457 = arith.cmpi slt, %add3A_450, %sign3A_456 : i32
        %sign3A_458 = arith.extui %sign3A_457 : i1 to i32
        %sign3A_459 = arith.subi %sign3A_455, %sign3A_458 : i32
        %sign3A_460 = arith.constant 0 : i32
        %sign3A_461 = arith.cmpi sgt, %jit3A_451, %sign3A_460 : i32
        %sign3A_462 = arith.extui %sign3A_461 : i1 to i32
        %sign3A_463 = arith.constant 0 : i32
        %sign3A_464 = arith.cmpi slt, %jit3A_451, %sign3A_463 : i32
        %sign3A_465 = arith.extui %sign3A_464 : i1 to i32
        %sign3A_466 = arith.subi %sign3A_462, %sign3A_465 : i32
        %ne3A_467 = arith.cmpi ne, %sign3A_459, %sign3A_466 : i32
        %rem3A_468 = arith.remsi %add3A_450, %jit3A_451 : i32
        %ne3A_469 = arith.constant 0 : i32
        %ne3A_470 = arith.cmpi ne, %rem3A_468, %ne3A_469 : i32
        %and3A_471 = arith.andi %ne3A_467, %ne3A_470 : i1
        %sub3A_472 = arith.constant 1 : i32
        %sub3A_473 = arith.subi %div3A_452, %sub3A_472 : i32
        %select_n3A_474 = arith.select %and3A_471, %sub3A_473, %div3A_452 : i32
        %jit3A_475 = arith.constant 96 : i32
        %eq3A_476 = arith.constant 0 : i32
        %eq3A_477 = arith.cmpi eq, %jit3A_475, %eq3A_476 : i32
        %jit3A_478 = arith.constant 1 : i32
        %select_n3A_479 = arith.select %eq3A_477, %jit3A_478, %jit3A_475 : i32
        %rem3A_480 = arith.remsi %add3A_450, %select_n3A_479 : i32
        %ne3A_481 = arith.constant 0 : i32
        %ne3A_482 = arith.cmpi ne, %rem3A_480, %ne3A_481 : i32
        %lt3A_483 = arith.constant 0 : i32
        %lt3A_484 = arith.cmpi slt, %rem3A_480, %lt3A_483 : i32
        %lt3A_485 = arith.constant 0 : i32
        %lt3A_486 = arith.cmpi slt, %select_n3A_479, %lt3A_485 : i32
        %ne3A_487 = arith.xori %lt3A_484, %lt3A_486 : i1
        %and3A_488 = arith.andi %ne3A_487, %ne3A_482 : i1
        %add3A_489 = arith.addi %rem3A_480, %select_n3A_479 : i32
        %select_n3A_490 = arith.select %and3A_488, %add3A_489, %rem3A_480 : i32
        %mul3A_491 = arith.constant 128 : i32
        %mul3A_492 = arith.muli %select_n3A_449, %mul3A_491 : i32
        %dma_start3A_493 = arith.constant 1 : i32
        %dma_start3A_494 = arith.constant 0 : i32
        %dma_start3A_495 = arith.constant 0 : i32
        %dma_start3A_496 = tpu.memref_slice %arg7[%dma_start3A_493, %dma_start3A_494, %dma_start3A_495] : memref<2x128x384xf32, #tpu.memory_space<vmem>> -> memref<1x128x384xf32, #tpu.memory_space<vmem>>
        %dma_start3A_497 = tpu.memref_squeeze %dma_start3A_496 : memref<1x128x384xf32, #tpu.memory_space<vmem>> -> memref<128x384xf32, #tpu.memory_space<vmem>>
        %dma_start3A_498 = arith.constant 0 : i32
        %dma_start3A_499 = tpu.memref_slice %arg2[%select_n3A_474, %select_n3A_490, %mul3A_492, %dma_start3A_498] : memref<4x96x384x384xf32, #tpu.memory_space<hbm>> -> memref<1x1x128x384xf32, #tpu.memory_space<hbm>>
        %dma_start3A_500 = tpu.memref_squeeze %dma_start3A_499 : memref<1x1x128x384xf32, #tpu.memory_space<hbm>> -> memref<128x384xf32, #tpu.memory_space<hbm>>
        %dma_start3A_501 = arith.constant 0 : i32
        %dma_start3A_502 = arith.constant 0 : i32
        %dma_start3A_503 = tpu.memref_slice %arg7[%dma_start3A_493, %dma_start3A_501, %dma_start3A_502] : memref<2x128x384xf32, #tpu.memory_space<vmem>> -> memref<1x128x384xf32, #tpu.memory_space<vmem>>
        %dma_start3A_504 = tpu.memref_squeeze %dma_start3A_503 : memref<1x128x384xf32, #tpu.memory_space<vmem>> -> memref<128x384xf32, #tpu.memory_space<vmem>>
        %dma_start3A_505 = arith.constant 0 : i32
        %dma_start3A_506 = tpu.memref_slice %arg2[%select_n3A_474, %select_n3A_490, %mul3A_492, %dma_start3A_505] : memref<4x96x384x384xf32, #tpu.memory_space<hbm>> -> memref<1x1x128x384xf32, #tpu.memory_space<hbm>>
        %dma_start3A_507 = tpu.memref_squeeze %dma_start3A_506 : memref<1x1x128x384xf32, #tpu.memory_space<hbm>> -> memref<128x384xf32, #tpu.memory_space<hbm>>
        tpu.enqueue_dma source(%dma_start3A_507 : memref<128x384xf32, #tpu.memory_space<hbm>>) target(%dma_start3A_504 : memref<128x384xf32, #tpu.memory_space<vmem>>) target_semaphore(%arg11 : memref<!tpu.dma_semaphore, #tpu.memory_space<semaphore_mem>>)
      } else {
      }
      %dma_wait3A_174 = arith.constant 0 : i32
      %dma_wait3A_175 = arith.constant 0 : i32
      %dma_wait3A_176 = arith.constant 0 : i32
      %dma_wait3A_177 = arith.constant 0 : i32
      %dma_wait3A_178 = arith.constant 0 : i32
      %dma_wait3A_179 = tpu.memref_slice %arg7[%dma_wait3A_176, %dma_wait3A_177, %dma_wait3A_178] : memref<2x128x384xf32, #tpu.memory_space<vmem>> -> memref<1x128x384xf32, #tpu.memory_space<vmem>>
      %dma_wait3A_180 = tpu.memref_squeeze %dma_wait3A_179 : memref<1x128x384xf32, #tpu.memory_space<vmem>> -> memref<128x384xf32, #tpu.memory_space<vmem>>
      %dma_wait3A_181 = arith.constant 0 : i32
      %dma_wait3A_182 = arith.constant 0 : i32
      %dma_wait3A_183 = tpu.memref_slice %arg2[%dma_wait3A_174, %dma_wait3A_175, %dma_wait3A_181, %dma_wait3A_182] : memref<4x96x384x384xf32, #tpu.memory_space<hbm>> -> memref<1x1x128x384xf32, #tpu.memory_space<hbm>>
      %dma_wait3A_184 = tpu.memref_squeeze %dma_wait3A_183 : memref<1x1x128x384xf32, #tpu.memory_space<hbm>> -> memref<128x384xf32, #tpu.memory_space<hbm>>
      %dma_wait3A_185 = arith.constant 0 : i32
      %dma_wait3A_186 = arith.constant 0 : i32
      %dma_wait3A_187 = tpu.memref_slice %arg7[%dma_wait3A_176, %dma_wait3A_185, %dma_wait3A_186] : memref<2x128x384xf32, #tpu.memory_space<vmem>> -> memref<1x128x384xf32, #tpu.memory_space<vmem>>
      %dma_wait3A_188 = tpu.memref_squeeze %dma_wait3A_187 : memref<1x128x384xf32, #tpu.memory_space<vmem>> -> memref<128x384xf32, #tpu.memory_space<vmem>>
      %dma_wait3A_189 = arith.constant 0 : i32
      %dma_wait3A_190 = arith.constant 0 : i32
      %dma_wait3A_191 = tpu.memref_slice %arg2[%dma_wait3A_174, %dma_wait3A_175, %dma_wait3A_189, %dma_wait3A_190] : memref<4x96x384x384xf32, #tpu.memory_space<hbm>> -> memref<1x1x128x384xf32, #tpu.memory_space<hbm>>
      %dma_wait3A_192 = tpu.memref_squeeze %dma_wait3A_191 : memref<1x1x128x384xf32, #tpu.memory_space<hbm>> -> memref<128x384xf32, #tpu.memory_space<hbm>>
      tpu.wait_dma2 semaphore(%arg10 : memref<!tpu.dma_semaphore, #tpu.memory_space<semaphore_mem>>) src(%dma_wait3A_192 : memref<128x384xf32, #tpu.memory_space<hbm>>) dst(%dma_wait3A_188 : memref<128x384xf32, #tpu.memory_space<vmem>>)
      %jit3A_193 = arith.constant 3 : i32
      %div3A_194 = arith.divsi %mul3A_171, %jit3A_193 : i32
      %sign3A_195 = arith.constant 0 : i32
      %sign3A_196 = arith.cmpi sgt, %mul3A_171, %sign3A_195 : i32
      %sign3A_197 = arith.extui %sign3A_196 : i1 to i32
      %sign3A_198 = arith.constant 0 : i32
      %sign3A_199 = arith.cmpi slt, %mul3A_171, %sign3A_198 : i32
      %sign3A_200 = arith.extui %sign3A_199 : i1 to i32
      %sign3A_201 = arith.subi %sign3A_197, %sign3A_200 : i32
      %sign3A_202 = arith.constant 0 : i32
      %sign3A_203 = arith.cmpi sgt, %jit3A_193, %sign3A_202 : i32
      %sign3A_204 = arith.extui %sign3A_203 : i1 to i32
      %sign3A_205 = arith.constant 0 : i32
      %sign3A_206 = arith.cmpi slt, %jit3A_193, %sign3A_205 : i32
      %sign3A_207 = arith.extui %sign3A_206 : i1 to i32
      %sign3A_208 = arith.subi %sign3A_204, %sign3A_207 : i32
      %ne3A_209 = arith.cmpi ne, %sign3A_201, %sign3A_208 : i32
      %rem3A_210 = arith.remsi %mul3A_171, %jit3A_193 : i32
      %ne3A_211 = arith.constant 0 : i32
      %ne3A_212 = arith.cmpi ne, %rem3A_210, %ne3A_211 : i32
      %and3A_213 = arith.andi %ne3A_209, %ne3A_212 : i1
      %sub3A_214 = arith.constant 1 : i32
      %sub3A_215 = arith.subi %div3A_194, %sub3A_214 : i32
      %select_n3A_216 = arith.select %and3A_213, %sub3A_215, %div3A_194 : i32
      %jit3A_217 = arith.constant 3 : i32
      %eq3A_218 = arith.constant 0 : i32
      %eq3A_219 = arith.cmpi eq, %jit3A_217, %eq3A_218 : i32
      %jit3A_220 = arith.constant 1 : i32
      %select_n3A_221 = arith.select %eq3A_219, %jit3A_220, %jit3A_217 : i32
      %rem3A_222 = arith.remsi %mul3A_171, %select_n3A_221 : i32
      %ne3A_223 = arith.constant 0 : i32
      %ne3A_224 = arith.cmpi ne, %rem3A_222, %ne3A_223 : i32
      %lt3A_225 = arith.constant 0 : i32
      %lt3A_226 = arith.cmpi slt, %rem3A_222, %lt3A_225 : i32
      %lt3A_227 = arith.constant 0 : i32
      %lt3A_228 = arith.cmpi slt, %select_n3A_221, %lt3A_227 : i32
      %ne3A_229 = arith.xori %lt3A_226, %lt3A_228 : i1
      %and3A_230 = arith.andi %ne3A_229, %ne3A_224 : i1
      %add3A_231 = arith.addi %rem3A_222, %select_n3A_221 : i32
      %select_n3A_232 = arith.select %and3A_230, %add3A_231, %rem3A_222 : i32
      %add3A_233 = arith.addi %mul3A_2, %select_n3A_216 : i32
      %get3A = arith.index_cast %select_n3A_232 : i32 to index
      %get3A_234 = memref.load %arg9[%get3A] : memref<8xi32, #tpu.memory_space<smem>>
      %jit3A_235 = arith.constant 2 : i32
      %eq3A_236 = arith.constant 0 : i32
      %eq3A_237 = arith.cmpi eq, %jit3A_235, %eq3A_236 : i32
      %jit3A_238 = arith.constant 1 : i32
      %select_n3A_239 = arith.select %eq3A_237, %jit3A_238, %jit3A_235 : i32
      %rem3A_240 = arith.remsi %select_n3A_216, %select_n3A_239 : i32
      %ne3A_241 = arith.constant 0 : i32
      %ne3A_242 = arith.cmpi ne, %rem3A_240, %ne3A_241 : i32
      %lt3A_243 = arith.constant 0 : i32
      %lt3A_244 = arith.cmpi slt, %rem3A_240, %lt3A_243 : i32
      %lt3A_245 = arith.constant 0 : i32
      %lt3A_246 = arith.cmpi slt, %select_n3A_239, %lt3A_245 : i32
      %ne3A_247 = arith.xori %lt3A_244, %lt3A_246 : i1
      %and3A_248 = arith.andi %ne3A_247, %ne3A_242 : i1
      %add3A_249 = arith.addi %rem3A_240, %select_n3A_239 : i32
      %select_n3A_250 = arith.select %and3A_248, %add3A_249, %rem3A_240 : i32
      %mul3A_251 = arith.constant 4096 : i32
      %mul3A_252 = arith.muli %select_n3A_250, %mul3A_251 : i32
      %eq3A_253 = arith.constant 0 : i32
      %eq3A_254 = arith.cmpi eq, %select_n3A_232, %eq3A_253 : i32
      %ge3A = arith.constant 2 : i32
      %ge3A_255 = arith.cmpi sge, %select_n3A_216, %ge3A : i32
      %and3A_256 = arith.andi %eq3A_254, %ge3A_255 : i1
      %convert_element_type3A_257 = arith.extui %and3A_256 : i1 to i32
      %cond3A_258 = arith.constant 0 : i32
      %cond3A_259 = arith.cmpi ne, %convert_element_type3A_257, %cond3A_258 : i32
      scf.if %cond3A_259 {
        %dma_wait3A_408 = arith.constant 0 : i32
        %dma_wait3A_409 = arith.constant 0 : i32
        %dma_wait3A_410 = arith.constant 0 : i32
        %dma_wait3A_411 = tpu.memref_slice %arg8[%dma_wait3A_410] : memref<8192xf32, #tpu.memory_space<vmem>> -> memref<4096xf32, #tpu.memory_space<vmem>>
        %dma_wait3A_412 = arith.constant 0 : i32
        %dma_wait3A_413 = tpu.memref_slice %arg4[%dma_wait3A_408, %dma_wait3A_409, %dma_wait3A_412] : memref<4x96x4096xf32, #tpu.memory_space<hbm>> -> memref<1x1x4096xf32, #tpu.memory_space<hbm>>
        %dma_wait3A_414 = tpu.memref_squeeze %dma_wait3A_413 : memref<1x1x4096xf32, #tpu.memory_space<hbm>> -> memref<4096xf32, #tpu.memory_space<hbm>>
        %dma_wait3A_415 = arith.constant 0 : i32
        %dma_wait3A_416 = tpu.memref_slice %arg4[%dma_wait3A_408, %dma_wait3A_409, %dma_wait3A_415] : memref<4x96x4096xf32, #tpu.memory_space<hbm>> -> memref<1x1x4096xf32, #tpu.memory_space<hbm>>
        %dma_wait3A_417 = tpu.memref_squeeze %dma_wait3A_416 : memref<1x1x4096xf32, #tpu.memory_space<hbm>> -> memref<4096xf32, #tpu.memory_space<hbm>>
        %dma_wait3A_418 = arith.constant 0 : i32
        %dma_wait3A_419 = tpu.memref_slice %arg8[%dma_wait3A_418] : memref<8192xf32, #tpu.memory_space<vmem>> -> memref<4096xf32, #tpu.memory_space<vmem>>
        tpu.wait_dma2 semaphore(%arg12 : memref<!tpu.dma_semaphore, #tpu.memory_space<semaphore_mem>>) src(%dma_wait3A_419 : memref<4096xf32, #tpu.memory_space<vmem>>) dst(%dma_wait3A_417 : memref<4096xf32, #tpu.memory_space<hbm>>)
      } else {
      }
      %shift_right_logical3A = arith.constant 4 : i32
      %shift_right_logical3A_260 = arith.shrui %get3A_234, %shift_right_logical3A : i32
      %while3A = arith.constant 0 : i32
      %while3A_261 = arith.constant 0 : i32
      %while3A_262 = arith.subi %shift_right_logical3A_260, %while3A : i32
      %while3A_263 = arith.addi %while3A, %while3A_262 : i32
      %while3A_264 = arith.constant 1 : i32
      %while3A_265 = arith.divsi %while3A_262, %while3A_264 : i32
      %while3A_266 = arith.muli %while3A_265, %while3A_264 : i32
      %while3A_267 = arith.addi %while3A, %while3A_266 : i32
      %while3A_268 = arith.constant 1 : i32
      %while3A_269 = scf.for %while3A_408 = %while3A to %while3A_267 step %while3A_268 iter_args(%while3A_409 = %while3A_261) -> (i32)  : i32 {
        %mul3A_410 = arith.constant 16 : i32
        %mul3A_411 = arith.muli %while3A_408, %mul3A_410 : i32
        %mul3A_412 = arith.constant 4112 : i32
        %mul3A_413 = arith.muli %select_n3A_232, %mul3A_412 : i32
        %add3A_414 = arith.addi %mul3A_413, %mul3A_411 : i32
        %get3A_415 = arith.index_cast %add3A_414 : i32 to index
        %get3A_416 = tpu.vector_load %arg6[%get3A_415] {strides = array<i32>} : memref<12336xi32, #tpu.memory_space<vmem>>, vector<16xi32>,
        %shift_right_logical3A_417 = arith.constant 16 : i32
        %shift_right_logical3A_418 = vector.broadcast %shift_right_logical3A_417 : i32 to vector<16xi32>
        %shift_right_logical3A_419 = arith.shrui %get3A_416, %shift_right_logical3A_418 : vector<16xi32>
        %shift_right_logical3A_420 = arith.constant 9 : i32
        %shift_right_logical3A_421 = vector.broadcast %shift_right_logical3A_420 : i32 to vector<16xi32>
        %shift_right_logical3A_422 = arith.shrui %get3A_416, %shift_right_logical3A_421 : vector<16xi32>
        %and3A_423 = arith.constant 127 : i32
        %and3A_424 = vector.broadcast %and3A_423 : i32 to vector<16xi32>
        %and3A_425 = arith.andi %shift_right_logical3A_422, %and3A_424 : vector<16xi32>
        %and3A_426 = arith.constant 511 : i32
        %and3A_427 = vector.broadcast %and3A_426 : i32 to vector<16xi32>
        %and3A_428 = arith.andi %get3A_416, %and3A_427 : vector<16xi32>
        %gather3A = arith.constant 0 : i32
        %gather3A_429 = arith.constant 0 : i32
        %gather3A_430 = arith.constant 0 : i32
        %gather3A_431 = tpu.memref_slice %arg7[%gather3A, %gather3A_429, %gather3A_430] : memref<2x128x384xf32, #tpu.memory_space<vmem>> -> memref<1x128x384xf32, #tpu.memory_space<vmem>>
        %gather3A_432 = tpu.memref_squeeze %gather3A_431 : memref<1x128x384xf32, #tpu.memory_space<vmem>> -> memref<128x384xf32, #tpu.memory_space<vmem>>
        %gather3A_433 = tpu.vector_load_idx %gather3A_432[%and3A_425, %and3A_428] : memref<128x384xf32, #tpu.memory_space<vmem>>[vector<16xi32>, vector<16xi32>], vector<16xf32>,
        %scatter3A = tpu.memref_slice %arg8[%mul3A_252] : memref<8192xf32, #tpu.memory_space<vmem>> -> memref<4096xf32, #tpu.memory_space<vmem>>
        tpu.vector_store_idx %scatter3A[%shift_right_logical3A_419], %gather3A_433 : memref<4096xf32, #tpu.memory_space<vmem>>[vector<16xi32>], vector<16xf32>,
        %while3A_434 = arith.constant 0 : i32
        scf.yield %while3A_434 : i32
      }
      %while3A_270 = arith.constant 1 : i32
      %while3A_271 = scf.for %while3A_408 = %while3A_267 to %while3A_263 step %while3A_270 iter_args(%while3A_409 = %while3A_269) -> (i32)  : i32 {
        %mul3A_410 = arith.constant 16 : i32
        %mul3A_411 = arith.muli %while3A_408, %mul3A_410 : i32
        %mul3A_412 = arith.constant 4112 : i32
        %mul3A_413 = arith.muli %select_n3A_232, %mul3A_412 : i32
        %add3A_414 = arith.addi %mul3A_413, %mul3A_411 : i32
        %get3A_415 = arith.index_cast %add3A_414 : i32 to index
        %get3A_416 = tpu.vector_load %arg6[%get3A_415] {strides = array<i32>} : memref<12336xi32, #tpu.memory_space<vmem>>, vector<16xi32>,
        %shift_right_logical3A_417 = arith.constant 16 : i32
        %shift_right_logical3A_418 = vector.broadcast %shift_right_logical3A_417 : i32 to vector<16xi32>
        %shift_right_logical3A_419 = arith.shrui %get3A_416, %shift_right_logical3A_418 : vector<16xi32>
        %shift_right_logical3A_420 = arith.constant 9 : i32
        %shift_right_logical3A_421 = vector.broadcast %shift_right_logical3A_420 : i32 to vector<16xi32>
        %shift_right_logical3A_422 = arith.shrui %get3A_416, %shift_right_logical3A_421 : vector<16xi32>
        %and3A_423 = arith.constant 127 : i32
        %and3A_424 = vector.broadcast %and3A_423 : i32 to vector<16xi32>
        %and3A_425 = arith.andi %shift_right_logical3A_422, %and3A_424 : vector<16xi32>
        %and3A_426 = arith.constant 511 : i32
        %and3A_427 = vector.broadcast %and3A_426 : i32 to vector<16xi32>
        %and3A_428 = arith.andi %get3A_416, %and3A_427 : vector<16xi32>
        %gather3A = arith.constant 0 : i32
        %gather3A_429 = arith.constant 0 : i32
        %gather3A_430 = arith.constant 0 : i32
        %gather3A_431 = tpu.memref_slice %arg7[%gather3A, %gather3A_429, %gather3A_430] : memref<2x128x384xf32, #tpu.memory_space<vmem>> -> memref<1x128x384xf32, #tpu.memory_space<vmem>>
        %gather3A_432 = tpu.memref_squeeze %gather3A_431 : memref<1x128x384xf32, #tpu.memory_space<vmem>> -> memref<128x384xf32, #tpu.memory_space<vmem>>
        %gather3A_433 = tpu.vector_load_idx %gather3A_432[%and3A_425, %and3A_428] : memref<128x384xf32, #tpu.memory_space<vmem>>[vector<16xi32>, vector<16xi32>], vector<16xf32>,
        %scatter3A = tpu.memref_slice %arg8[%mul3A_252] : memref<8192xf32, #tpu.memory_space<vmem>> -> memref<4096xf32, #tpu.memory_space<vmem>>
        tpu.vector_store_idx %scatter3A[%shift_right_logical3A_419], %gather3A_433 : memref<4096xf32, #tpu.memory_space<vmem>>[vector<16xi32>], vector<16xf32>,
        %while3A_434 = arith.constant 0 : i32
        scf.yield %while3A_434 : i32
      }
      %and3A_272 = arith.constant 15 : i32
      %and3A_273 = arith.andi %get3A_234, %and3A_272 : i32
      %ne3A_274 = arith.constant 0 : i32
      %ne3A_275 = arith.cmpi ne, %and3A_273, %ne3A_274 : i32
      %convert_element_type3A_276 = arith.extui %ne3A_275 : i1 to i32
      %cond3A_277 = arith.constant 0 : i32
      %cond3A_278 = arith.cmpi ne, %convert_element_type3A_276, %cond3A_277 : i32
      scf.if %cond3A_278 {
        %mul3A_408 = arith.constant 16 : i32
        %mul3A_409 = arith.muli %shift_right_logical3A_260, %mul3A_408 : i32
        %mul3A_410 = arith.constant 4112 : i32
        %mul3A_411 = arith.muli %select_n3A_232, %mul3A_410 : i32
        %add3A_412 = arith.addi %mul3A_411, %mul3A_409 : i32
        %get3A_413 = arith.index_cast %add3A_412 : i32 to index
        %get3A_414 = tpu.vector_load %arg6[%get3A_413] {strides = array<i32>} : memref<12336xi32, #tpu.memory_space<vmem>>, vector<16xi32>,
        %shift_right_logical3A_415 = arith.constant 16 : i32
        %shift_right_logical3A_416 = vector.broadcast %shift_right_logical3A_415 : i32 to vector<16xi32>
        %shift_right_logical3A_417 = arith.shrui %get3A_414, %shift_right_logical3A_416 : vector<16xi32>
        %shift_right_logical3A_418 = arith.constant 9 : i32
        %shift_right_logical3A_419 = vector.broadcast %shift_right_logical3A_418 : i32 to vector<16xi32>
        %shift_right_logical3A_420 = arith.shrui %get3A_414, %shift_right_logical3A_419 : vector<16xi32>
        %and3A_421 = arith.constant 127 : i32
        %and3A_422 = vector.broadcast %and3A_421 : i32 to vector<16xi32>
        %and3A_423 = arith.andi %shift_right_logical3A_420, %and3A_422 : vector<16xi32>
        %and3A_424 = arith.constant 511 : i32
        %and3A_425 = vector.broadcast %and3A_424 : i32 to vector<16xi32>
        %and3A_426 = arith.andi %get3A_414, %and3A_425 : vector<16xi32>
        %add3A_427 = vector.broadcast %mul3A_409 : i32 to vector<16xi32>
        %add3A_428 = arith.addi %add3A_427, %iota3A : vector<16xi32>
        %lt3A_429 = vector.broadcast %get3A_234 : i32 to vector<16xi32>
        %lt3A_430 = arith.cmpi slt, %add3A_428, %lt3A_429 : vector<16xi32>
        %gather3A = arith.constant 0 : i32
        %gather3A_431 = arith.constant 0 : i32
        %gather3A_432 = arith.constant 0 : i32
        %gather3A_433 = tpu.memref_slice %arg7[%gather3A, %gather3A_431, %gather3A_432] : memref<2x128x384xf32, #tpu.memory_space<vmem>> -> memref<1x128x384xf32, #tpu.memory_space<vmem>>
        %gather3A_434 = tpu.memref_squeeze %gather3A_433 : memref<1x128x384xf32, #tpu.memory_space<vmem>> -> memref<128x384xf32, #tpu.memory_space<vmem>>
        %gather3A_435 = tpu.vector_load_idx %gather3A_434[%and3A_423, %and3A_426] masked %lt3A_430 : memref<128x384xf32, #tpu.memory_space<vmem>>[vector<16xi32>, vector<16xi32>], vector<16xf32>, vector<16xi1>
        %scatter3A = tpu.memref_slice %arg8[%mul3A_252] : memref<8192xf32, #tpu.memory_space<vmem>> -> memref<4096xf32, #tpu.memory_space<vmem>>
        tpu.vector_store_idx %scatter3A[%shift_right_logical3A_417], %gather3A_435 masked %lt3A_430 : memref<4096xf32, #tpu.memory_space<vmem>>[vector<16xi32>], vector<16xf32>, vector<16xi1>
      } else {
      }
      %eq3A_279 = arith.constant 2 : i32
      %eq3A_280 = arith.cmpi eq, %select_n3A_232, %eq3A_279 : i32
      %convert_element_type3A_281 = arith.extui %eq3A_280 : i1 to i32
      %cond3A_282 = arith.constant 0 : i32
      %cond3A_283 = arith.cmpi ne, %convert_element_type3A_281, %cond3A_282 : i32
      scf.if %cond3A_283 {
        %jit3A_408 = arith.constant 96 : i32
        %div3A_409 = arith.divsi %add3A_233, %jit3A_408 : i32
        %sign3A_410 = arith.constant 0 : i32
        %sign3A_411 = arith.cmpi sgt, %add3A_233, %sign3A_410 : i32
        %sign3A_412 = arith.extui %sign3A_411 : i1 to i32
        %sign3A_413 = arith.constant 0 : i32
        %sign3A_414 = arith.cmpi slt, %add3A_233, %sign3A_413 : i32
        %sign3A_415 = arith.extui %sign3A_414 : i1 to i32
        %sign3A_416 = arith.subi %sign3A_412, %sign3A_415 : i32
        %sign3A_417 = arith.constant 0 : i32
        %sign3A_418 = arith.cmpi sgt, %jit3A_408, %sign3A_417 : i32
        %sign3A_419 = arith.extui %sign3A_418 : i1 to i32
        %sign3A_420 = arith.constant 0 : i32
        %sign3A_421 = arith.cmpi slt, %jit3A_408, %sign3A_420 : i32
        %sign3A_422 = arith.extui %sign3A_421 : i1 to i32
        %sign3A_423 = arith.subi %sign3A_419, %sign3A_422 : i32
        %ne3A_424 = arith.cmpi ne, %sign3A_416, %sign3A_423 : i32
        %rem3A_425 = arith.remsi %add3A_233, %jit3A_408 : i32
        %ne3A_426 = arith.constant 0 : i32
        %ne3A_427 = arith.cmpi ne, %rem3A_425, %ne3A_426 : i32
        %and3A_428 = arith.andi %ne3A_424, %ne3A_427 : i1
        %sub3A_429 = arith.constant 1 : i32
        %sub3A_430 = arith.subi %div3A_409, %sub3A_429 : i32
        %select_n3A_431 = arith.select %and3A_428, %sub3A_430, %div3A_409 : i32
        %jit3A_432 = arith.constant 96 : i32
        %eq3A_433 = arith.constant 0 : i32
        %eq3A_434 = arith.cmpi eq, %jit3A_432, %eq3A_433 : i32
        %jit3A_435 = arith.constant 1 : i32
        %select_n3A_436 = arith.select %eq3A_434, %jit3A_435, %jit3A_432 : i32
        %rem3A_437 = arith.remsi %add3A_233, %select_n3A_436 : i32
        %ne3A_438 = arith.constant 0 : i32
        %ne3A_439 = arith.cmpi ne, %rem3A_437, %ne3A_438 : i32
        %lt3A_440 = arith.constant 0 : i32
        %lt3A_441 = arith.cmpi slt, %rem3A_437, %lt3A_440 : i32
        %lt3A_442 = arith.constant 0 : i32
        %lt3A_443 = arith.cmpi slt, %select_n3A_436, %lt3A_442 : i32
        %ne3A_444 = arith.xori %lt3A_441, %lt3A_443 : i1
        %and3A_445 = arith.andi %ne3A_444, %ne3A_439 : i1
        %add3A_446 = arith.addi %rem3A_437, %select_n3A_436 : i32
        %select_n3A_447 = arith.select %and3A_445, %add3A_446, %rem3A_437 : i32
        %dma_start3A_448 = tpu.memref_slice %arg8[%mul3A_252] : memref<8192xf32, #tpu.memory_space<vmem>> -> memref<4096xf32, #tpu.memory_space<vmem>>
        %dma_start3A_449 = arith.constant 0 : i32
        %dma_start3A_450 = tpu.memref_slice %arg4[%select_n3A_431, %select_n3A_447, %dma_start3A_449] : memref<4x96x4096xf32, #tpu.memory_space<hbm>> -> memref<1x1x4096xf32, #tpu.memory_space<hbm>>
        %dma_start3A_451 = tpu.memref_squeeze %dma_start3A_450 : memref<1x1x4096xf32, #tpu.memory_space<hbm>> -> memref<4096xf32, #tpu.memory_space<hbm>>
        %dma_start3A_452 = arith.constant 0 : i32
        %dma_start3A_453 = tpu.memref_slice %arg4[%select_n3A_431, %select_n3A_447, %dma_start3A_452] : memref<4x96x4096xf32, #tpu.memory_space<hbm>> -> memref<1x1x4096xf32, #tpu.memory_space<hbm>>
        %dma_start3A_454 = tpu.memref_squeeze %dma_start3A_453 : memref<1x1x4096xf32, #tpu.memory_space<hbm>> -> memref<4096xf32, #tpu.memory_space<hbm>>
        %dma_start3A_455 = tpu.memref_slice %arg8[%mul3A_252] : memref<8192xf32, #tpu.memory_space<vmem>> -> memref<4096xf32, #tpu.memory_space<vmem>>
        tpu.enqueue_dma source(%dma_start3A_455 : memref<4096xf32, #tpu.memory_space<vmem>>) target(%dma_start3A_454 : memref<4096xf32, #tpu.memory_space<hbm>>) target_semaphore(%arg12 : memref<!tpu.dma_semaphore, #tpu.memory_space<semaphore_mem>>)
      } else {
      }
      %add3A_284 = arith.constant 2 : i32
      %add3A_285 = arith.addi %mul3A_171, %add3A_284 : i32
      %lt3A_286 = arith.constant 36 : i32
      %lt3A_287 = arith.cmpi slt, %add3A_285, %lt3A_286 : i32
      %convert_element_type3A_288 = arith.extui %lt3A_287 : i1 to i32
      %cond3A_289 = arith.constant 0 : i32
      %cond3A_290 = arith.cmpi ne, %convert_element_type3A_288, %cond3A_289 : i32
      scf.if %cond3A_290 {
        %add3A_408 = arith.constant 2 : i32
        %add3A_409 = arith.addi %mul3A_171, %add3A_408 : i32
        %jit3A_410 = arith.constant 3 : i32
        %div3A_411 = arith.divsi %add3A_409, %jit3A_410 : i32
        %sign3A_412 = arith.constant 0 : i32
        %sign3A_413 = arith.cmpi sgt, %add3A_409, %sign3A_412 : i32
        %sign3A_414 = arith.extui %sign3A_413 : i1 to i32
        %sign3A_415 = arith.constant 0 : i32
        %sign3A_416 = arith.cmpi slt, %add3A_409, %sign3A_415 : i32
        %sign3A_417 = arith.extui %sign3A_416 : i1 to i32
        %sign3A_418 = arith.subi %sign3A_414, %sign3A_417 : i32
        %sign3A_419 = arith.constant 0 : i32
        %sign3A_420 = arith.cmpi sgt, %jit3A_410, %sign3A_419 : i32
        %sign3A_421 = arith.extui %sign3A_420 : i1 to i32
        %sign3A_422 = arith.constant 0 : i32
        %sign3A_423 = arith.cmpi slt, %jit3A_410, %sign3A_422 : i32
        %sign3A_424 = arith.extui %sign3A_423 : i1 to i32
        %sign3A_425 = arith.subi %sign3A_421, %sign3A_424 : i32
        %ne3A_426 = arith.cmpi ne, %sign3A_418, %sign3A_425 : i32
        %rem3A_427 = arith.remsi %add3A_409, %jit3A_410 : i32
        %ne3A_428 = arith.constant 0 : i32
        %ne3A_429 = arith.cmpi ne, %rem3A_427, %ne3A_428 : i32
        %and3A_430 = arith.andi %ne3A_426, %ne3A_429 : i1
        %sub3A_431 = arith.constant 1 : i32
        %sub3A_432 = arith.subi %div3A_411, %sub3A_431 : i32
        %select_n3A_433 = arith.select %and3A_430, %sub3A_432, %div3A_411 : i32
        %jit3A_434 = arith.constant 3 : i32
        %eq3A_435 = arith.constant 0 : i32
        %eq3A_436 = arith.cmpi eq, %jit3A_434, %eq3A_435 : i32
        %jit3A_437 = arith.constant 1 : i32
        %select_n3A_438 = arith.select %eq3A_436, %jit3A_437, %jit3A_434 : i32
        %rem3A_439 = arith.remsi %add3A_409, %select_n3A_438 : i32
        %ne3A_440 = arith.constant 0 : i32
        %ne3A_441 = arith.cmpi ne, %rem3A_439, %ne3A_440 : i32
        %lt3A_442 = arith.constant 0 : i32
        %lt3A_443 = arith.cmpi slt, %rem3A_439, %lt3A_442 : i32
        %lt3A_444 = arith.constant 0 : i32
        %lt3A_445 = arith.cmpi slt, %select_n3A_438, %lt3A_444 : i32
        %ne3A_446 = arith.xori %lt3A_443, %lt3A_445 : i1
        %and3A_447 = arith.andi %ne3A_446, %ne3A_441 : i1
        %add3A_448 = arith.addi %rem3A_439, %select_n3A_438 : i32
        %select_n3A_449 = arith.select %and3A_447, %add3A_448, %rem3A_439 : i32
        %add3A_450 = arith.addi %mul3A_2, %select_n3A_433 : i32
        %jit3A_451 = arith.constant 96 : i32
        %div3A_452 = arith.divsi %add3A_450, %jit3A_451 : i32
        %sign3A_453 = arith.constant 0 : i32
        %sign3A_454 = arith.cmpi sgt, %add3A_450, %sign3A_453 : i32
        %sign3A_455 = arith.extui %sign3A_454 : i1 to i32
        %sign3A_456 = arith.constant 0 : i32
        %sign3A_457 = arith.cmpi slt, %add3A_450, %sign3A_456 : i32
        %sign3A_458 = arith.extui %sign3A_457 : i1 to i32
        %sign3A_459 = arith.subi %sign3A_455, %sign3A_458 : i32
        %sign3A_460 = arith.constant 0 : i32
        %sign3A_461 = arith.cmpi sgt, %jit3A_451, %sign3A_460 : i32
        %sign3A_462 = arith.extui %sign3A_461 : i1 to i32
        %sign3A_463 = arith.constant 0 : i32
        %sign3A_464 = arith.cmpi slt, %jit3A_451, %sign3A_463 : i32
        %sign3A_465 = arith.extui %sign3A_464 : i1 to i32
        %sign3A_466 = arith.subi %sign3A_462, %sign3A_465 : i32
        %ne3A_467 = arith.cmpi ne, %sign3A_459, %sign3A_466 : i32
        %rem3A_468 = arith.remsi %add3A_450, %jit3A_451 : i32
        %ne3A_469 = arith.constant 0 : i32
        %ne3A_470 = arith.cmpi ne, %rem3A_468, %ne3A_469 : i32
        %and3A_471 = arith.andi %ne3A_467, %ne3A_470 : i1
        %sub3A_472 = arith.constant 1 : i32
        %sub3A_473 = arith.subi %div3A_452, %sub3A_472 : i32
        %select_n3A_474 = arith.select %and3A_471, %sub3A_473, %div3A_452 : i32
        %jit3A_475 = arith.constant 96 : i32
        %eq3A_476 = arith.constant 0 : i32
        %eq3A_477 = arith.cmpi eq, %jit3A_475, %eq3A_476 : i32
        %jit3A_478 = arith.constant 1 : i32
        %select_n3A_479 = arith.select %eq3A_477, %jit3A_478, %jit3A_475 : i32
        %rem3A_480 = arith.remsi %add3A_450, %select_n3A_479 : i32
        %ne3A_481 = arith.constant 0 : i32
        %ne3A_482 = arith.cmpi ne, %rem3A_480, %ne3A_481 : i32
        %lt3A_483 = arith.constant 0 : i32
        %lt3A_484 = arith.cmpi slt, %rem3A_480, %lt3A_483 : i32
        %lt3A_485 = arith.constant 0 : i32
        %lt3A_486 = arith.cmpi slt, %select_n3A_479, %lt3A_485 : i32
        %ne3A_487 = arith.xori %lt3A_484, %lt3A_486 : i1
        %and3A_488 = arith.andi %ne3A_487, %ne3A_482 : i1
        %add3A_489 = arith.addi %rem3A_480, %select_n3A_479 : i32
        %select_n3A_490 = arith.select %and3A_488, %add3A_489, %rem3A_480 : i32
        %mul3A_491 = arith.constant 128 : i32
        %mul3A_492 = arith.muli %select_n3A_449, %mul3A_491 : i32
        %dma_start3A_493 = arith.constant 0 : i32
        %dma_start3A_494 = arith.constant 0 : i32
        %dma_start3A_495 = arith.constant 0 : i32
        %dma_start3A_496 = tpu.memref_slice %arg7[%dma_start3A_493, %dma_start3A_494, %dma_start3A_495] : memref<2x128x384xf32, #tpu.memory_space<vmem>> -> memref<1x128x384xf32, #tpu.memory_space<vmem>>
        %dma_start3A_497 = tpu.memref_squeeze %dma_start3A_496 : memref<1x128x384xf32, #tpu.memory_space<vmem>> -> memref<128x384xf32, #tpu.memory_space<vmem>>
        %dma_start3A_498 = arith.constant 0 : i32
        %dma_start3A_499 = tpu.memref_slice %arg2[%select_n3A_474, %select_n3A_490, %mul3A_492, %dma_start3A_498] : memref<4x96x384x384xf32, #tpu.memory_space<hbm>> -> memref<1x1x128x384xf32, #tpu.memory_space<hbm>>
        %dma_start3A_500 = tpu.memref_squeeze %dma_start3A_499 : memref<1x1x128x384xf32, #tpu.memory_space<hbm>> -> memref<128x384xf32, #tpu.memory_space<hbm>>
        %dma_start3A_501 = arith.constant 0 : i32
        %dma_start3A_502 = arith.constant 0 : i32
        %dma_start3A_503 = tpu.memref_slice %arg7[%dma_start3A_493, %dma_start3A_501, %dma_start3A_502] : memref<2x128x384xf32, #tpu.memory_space<vmem>> -> memref<1x128x384xf32, #tpu.memory_space<vmem>>
        %dma_start3A_504 = tpu.memref_squeeze %dma_start3A_503 : memref<1x128x384xf32, #tpu.memory_space<vmem>> -> memref<128x384xf32, #tpu.memory_space<vmem>>
        %dma_start3A_505 = arith.constant 0 : i32
        %dma_start3A_506 = tpu.memref_slice %arg2[%select_n3A_474, %select_n3A_490, %mul3A_492, %dma_start3A_505] : memref<4x96x384x384xf32, #tpu.memory_space<hbm>> -> memref<1x1x128x384xf32, #tpu.memory_space<hbm>>
        %dma_start3A_507 = tpu.memref_squeeze %dma_start3A_506 : memref<1x1x128x384xf32, #tpu.memory_space<hbm>> -> memref<128x384xf32, #tpu.memory_space<hbm>>
        tpu.enqueue_dma source(%dma_start3A_507 : memref<128x384xf32, #tpu.memory_space<hbm>>) target(%dma_start3A_504 : memref<128x384xf32, #tpu.memory_space<vmem>>) target_semaphore(%arg10 : memref<!tpu.dma_semaphore, #tpu.memory_space<semaphore_mem>>)
      } else {
      }
      %dma_wait3A_291 = arith.constant 0 : i32
      %dma_wait3A_292 = arith.constant 0 : i32
      %dma_wait3A_293 = arith.constant 1 : i32
      %dma_wait3A_294 = arith.constant 0 : i32
      %dma_wait3A_295 = arith.constant 0 : i32
      %dma_wait3A_296 = tpu.memref_slice %arg7[%dma_wait3A_293, %dma_wait3A_294, %dma_wait3A_295] : memref<2x128x384xf32, #tpu.memory_space<vmem>> -> memref<1x128x384xf32, #tpu.memory_space<vmem>>
      %dma_wait3A_297 = tpu.memref_squeeze %dma_wait3A_296 : memref<1x128x384xf32, #tpu.memory_space<vmem>> -> memref<128x384xf32, #tpu.memory_space<vmem>>
      %dma_wait3A_298 = arith.constant 0 : i32
      %dma_wait3A_299 = arith.constant 0 : i32
      %dma_wait3A_300 = tpu.memref_slice %arg2[%dma_wait3A_291, %dma_wait3A_292, %dma_wait3A_298, %dma_wait3A_299] : memref<4x96x384x384xf32, #tpu.memory_space<hbm>> -> memref<1x1x128x384xf32, #tpu.memory_space<hbm>>
      %dma_wait3A_301 = tpu.memref_squeeze %dma_wait3A_300 : memref<1x1x128x384xf32, #tpu.memory_space<hbm>> -> memref<128x384xf32, #tpu.memory_space<hbm>>
      %dma_wait3A_302 = arith.constant 0 : i32
      %dma_wait3A_303 = arith.constant 0 : i32
      %dma_wait3A_304 = tpu.memref_slice %arg7[%dma_wait3A_293, %dma_wait3A_302, %dma_wait3A_303] : memref<2x128x384xf32, #tpu.memory_space<vmem>> -> memref<1x128x384xf32, #tpu.memory_space<vmem>>
      %dma_wait3A_305 = tpu.memref_squeeze %dma_wait3A_304 : memref<1x128x384xf32, #tpu.memory_space<vmem>> -> memref<128x384xf32, #tpu.memory_space<vmem>>
      %dma_wait3A_306 = arith.constant 0 : i32
      %dma_wait3A_307 = arith.constant 0 : i32
      %dma_wait3A_308 = tpu.memref_slice %arg2[%dma_wait3A_291, %dma_wait3A_292, %dma_wait3A_306, %dma_wait3A_307] : memref<4x96x384x384xf32, #tpu.memory_space<hbm>> -> memref<1x1x128x384xf32, #tpu.memory_space<hbm>>
      %dma_wait3A_309 = tpu.memref_squeeze %dma_wait3A_308 : memref<1x1x128x384xf32, #tpu.memory_space<hbm>> -> memref<128x384xf32, #tpu.memory_space<hbm>>
      tpu.wait_dma2 semaphore(%arg11 : memref<!tpu.dma_semaphore, #tpu.memory_space<semaphore_mem>>) src(%dma_wait3A_309 : memref<128x384xf32, #tpu.memory_space<hbm>>) dst(%dma_wait3A_305 : memref<128x384xf32, #tpu.memory_space<vmem>>)
      %add3A_310 = arith.constant 1 : i32
      %add3A_311 = arith.addi %mul3A_171, %add3A_310 : i32
      %jit3A_312 = arith.constant 3 : i32
      %div3A_313 = arith.divsi %add3A_311, %jit3A_312 : i32
      %sign3A_314 = arith.constant 0 : i32
      %sign3A_315 = arith.cmpi sgt, %add3A_311, %sign3A_314 : i32
      %sign3A_316 = arith.extui %sign3A_315 : i1 to i32
      %sign3A_317 = arith.constant 0 : i32
      %sign3A_318 = arith.cmpi slt, %add3A_311, %sign3A_317 : i32
      %sign3A_319 = arith.extui %sign3A_318 : i1 to i32
      %sign3A_320 = arith.subi %sign3A_316, %sign3A_319 : i32
      %sign3A_321 = arith.constant 0 : i32
      %sign3A_322 = arith.cmpi sgt, %jit3A_312, %sign3A_321 : i32
      %sign3A_323 = arith.extui %sign3A_322 : i1 to i32
      %sign3A_324 = arith.constant 0 : i32
      %sign3A_325 = arith.cmpi slt, %jit3A_312, %sign3A_324 : i32
      %sign3A_326 = arith.extui %sign3A_325 : i1 to i32
      %sign3A_327 = arith.subi %sign3A_323, %sign3A_326 : i32
      %ne3A_328 = arith.cmpi ne, %sign3A_320, %sign3A_327 : i32
      %rem3A_329 = arith.remsi %add3A_311, %jit3A_312 : i32
      %ne3A_330 = arith.constant 0 : i32
      %ne3A_331 = arith.cmpi ne, %rem3A_329, %ne3A_330 : i32
      %and3A_332 = arith.andi %ne3A_328, %ne3A_331 : i1
      %sub3A_333 = arith.constant 1 : i32
      %sub3A_334 = arith.subi %div3A_313, %sub3A_333 : i32
      %select_n3A_335 = arith.select %and3A_332, %sub3A_334, %div3A_313 : i32
      %jit3A_336 = arith.constant 3 : i32
      %eq3A_337 = arith.constant 0 : i32
      %eq3A_338 = arith.cmpi eq, %jit3A_336, %eq3A_337 : i32
      %jit3A_339 = arith.constant 1 : i32
      %select_n3A_340 = arith.select %eq3A_338, %jit3A_339, %jit3A_336 : i32
      %rem3A_341 = arith.remsi %add3A_311, %select_n3A_340 : i32
      %ne3A_342 = arith.constant 0 : i32
      %ne3A_343 = arith.cmpi ne, %rem3A_341, %ne3A_342 : i32
      %lt3A_344 = arith.constant 0 : i32
      %lt3A_345 = arith.cmpi slt, %rem3A_341, %lt3A_344 : i32
      %lt3A_346 = arith.constant 0 : i32
      %lt3A_347 = arith.cmpi slt, %select_n3A_340, %lt3A_346 : i32
      %ne3A_348 = arith.xori %lt3A_345, %lt3A_347 : i1
      %and3A_349 = arith.andi %ne3A_348, %ne3A_343 : i1
      %add3A_350 = arith.addi %rem3A_341, %select_n3A_340 : i32
      %select_n3A_351 = arith.select %and3A_349, %add3A_350, %rem3A_341 : i32
      %add3A_352 = arith.addi %mul3A_2, %select_n3A_335 : i32
      %get3A_353 = arith.index_cast %select_n3A_351 : i32 to index
      %get3A_354 = memref.load %arg9[%get3A_353] : memref<8xi32, #tpu.memory_space<smem>>
      %jit3A_355 = arith.constant 2 : i32
      %eq3A_356 = arith.constant 0 : i32
      %eq3A_357 = arith.cmpi eq, %jit3A_355, %eq3A_356 : i32
      %jit3A_358 = arith.constant 1 : i32
      %select_n3A_359 = arith.select %eq3A_357, %jit3A_358, %jit3A_355 : i32
      %rem3A_360 = arith.remsi %select_n3A_335, %select_n3A_359 : i32
      %ne3A_361 = arith.constant 0 : i32
      %ne3A_362 = arith.cmpi ne, %rem3A_360, %ne3A_361 : i32
      %lt3A_363 = arith.constant 0 : i32
      %lt3A_364 = arith.cmpi slt, %rem3A_360, %lt3A_363 : i32
      %lt3A_365 = arith.constant 0 : i32
      %lt3A_366 = arith.cmpi slt, %select_n3A_359, %lt3A_365 : i32
      %ne3A_367 = arith.xori %lt3A_364, %lt3A_366 : i1
      %and3A_368 = arith.andi %ne3A_367, %ne3A_362 : i1
      %add3A_369 = arith.addi %rem3A_360, %select_n3A_359 : i32
      %select_n3A_370 = arith.select %and3A_368, %add3A_369, %rem3A_360 : i32
      %mul3A_371 = arith.constant 4096 : i32
      %mul3A_372 = arith.muli %select_n3A_370, %mul3A_371 : i32
      %eq3A_373 = arith.constant 0 : i32
      %eq3A_374 = arith.cmpi eq, %select_n3A_351, %eq3A_373 : i32
      %ge3A_375 = arith.constant 2 : i32
      %ge3A_376 = arith.cmpi sge, %select_n3A_335, %ge3A_375 : i32
      %and3A_377 = arith.andi %eq3A_374, %ge3A_376 : i1
      %convert_element_type3A_378 = arith.extui %and3A_377 : i1 to i32
      %cond3A_379 = arith.constant 0 : i32
      %cond3A_380 = arith.cmpi ne, %convert_element_type3A_378, %cond3A_379 : i32
      scf.if %cond3A_380 {
        %dma_wait3A_408 = arith.constant 0 : i32
        %dma_wait3A_409 = arith.constant 0 : i32
        %dma_wait3A_410 = arith.constant 0 : i32
        %dma_wait3A_411 = tpu.memref_slice %arg8[%dma_wait3A_410] : memref<8192xf32, #tpu.memory_space<vmem>> -> memref<4096xf32, #tpu.memory_space<vmem>>
        %dma_wait3A_412 = arith.constant 0 : i32
        %dma_wait3A_413 = tpu.memref_slice %arg4[%dma_wait3A_408, %dma_wait3A_409, %dma_wait3A_412] : memref<4x96x4096xf32, #tpu.memory_space<hbm>> -> memref<1x1x4096xf32, #tpu.memory_space<hbm>>
        %dma_wait3A_414 = tpu.memref_squeeze %dma_wait3A_413 : memref<1x1x4096xf32, #tpu.memory_space<hbm>> -> memref<4096xf32, #tpu.memory_space<hbm>>
        %dma_wait3A_415 = arith.constant 0 : i32
        %dma_wait3A_416 = tpu.memref_slice %arg4[%dma_wait3A_408, %dma_wait3A_409, %dma_wait3A_415] : memref<4x96x4096xf32, #tpu.memory_space<hbm>> -> memref<1x1x4096xf32, #tpu.memory_space<hbm>>
        %dma_wait3A_417 = tpu.memref_squeeze %dma_wait3A_416 : memref<1x1x4096xf32, #tpu.memory_space<hbm>> -> memref<4096xf32, #tpu.memory_space<hbm>>
        %dma_wait3A_418 = arith.constant 0 : i32
        %dma_wait3A_419 = tpu.memref_slice %arg8[%dma_wait3A_418] : memref<8192xf32, #tpu.memory_space<vmem>> -> memref<4096xf32, #tpu.memory_space<vmem>>
        tpu.wait_dma2 semaphore(%arg12 : memref<!tpu.dma_semaphore, #tpu.memory_space<semaphore_mem>>) src(%dma_wait3A_419 : memref<4096xf32, #tpu.memory_space<vmem>>) dst(%dma_wait3A_417 : memref<4096xf32, #tpu.memory_space<hbm>>)
      } else {
      }
      %shift_right_logical3A_381 = arith.constant 4 : i32
      %shift_right_logical3A_382 = arith.shrui %get3A_354, %shift_right_logical3A_381 : i32
      %while3A_383 = arith.constant 0 : i32
      %while3A_384 = arith.constant 0 : i32
      %while3A_385 = arith.subi %shift_right_logical3A_382, %while3A_383 : i32
      %while3A_386 = arith.addi %while3A_383, %while3A_385 : i32
      %while3A_387 = arith.constant 1 : i32
      %while3A_388 = arith.divsi %while3A_385, %while3A_387 : i32
      %while3A_389 = arith.muli %while3A_388, %while3A_387 : i32
      %while3A_390 = arith.addi %while3A_383, %while3A_389 : i32
      %while3A_391 = arith.constant 1 : i32
      %while3A_392 = scf.for %while3A_408 = %while3A_383 to %while3A_390 step %while3A_391 iter_args(%while3A_409 = %while3A_384) -> (i32)  : i32 {
        %mul3A_410 = arith.constant 16 : i32
        %mul3A_411 = arith.muli %while3A_408, %mul3A_410 : i32
        %mul3A_412 = arith.constant 4112 : i32
        %mul3A_413 = arith.muli %select_n3A_351, %mul3A_412 : i32
        %add3A_414 = arith.addi %mul3A_413, %mul3A_411 : i32
        %get3A_415 = arith.index_cast %add3A_414 : i32 to index
        %get3A_416 = tpu.vector_load %arg6[%get3A_415] {strides = array<i32>} : memref<12336xi32, #tpu.memory_space<vmem>>, vector<16xi32>,
        %shift_right_logical3A_417 = arith.constant 16 : i32
        %shift_right_logical3A_418 = vector.broadcast %shift_right_logical3A_417 : i32 to vector<16xi32>
        %shift_right_logical3A_419 = arith.shrui %get3A_416, %shift_right_logical3A_418 : vector<16xi32>
        %shift_right_logical3A_420 = arith.constant 9 : i32
        %shift_right_logical3A_421 = vector.broadcast %shift_right_logical3A_420 : i32 to vector<16xi32>
        %shift_right_logical3A_422 = arith.shrui %get3A_416, %shift_right_logical3A_421 : vector<16xi32>
        %and3A_423 = arith.constant 127 : i32
        %and3A_424 = vector.broadcast %and3A_423 : i32 to vector<16xi32>
        %and3A_425 = arith.andi %shift_right_logical3A_422, %and3A_424 : vector<16xi32>
        %and3A_426 = arith.constant 511 : i32
        %and3A_427 = vector.broadcast %and3A_426 : i32 to vector<16xi32>
        %and3A_428 = arith.andi %get3A_416, %and3A_427 : vector<16xi32>
        %gather3A = arith.constant 1 : i32
        %gather3A_429 = arith.constant 0 : i32
        %gather3A_430 = arith.constant 0 : i32
        %gather3A_431 = tpu.memref_slice %arg7[%gather3A, %gather3A_429, %gather3A_430] : memref<2x128x384xf32, #tpu.memory_space<vmem>> -> memref<1x128x384xf32, #tpu.memory_space<vmem>>
        %gather3A_432 = tpu.memref_squeeze %gather3A_431 : memref<1x128x384xf32, #tpu.memory_space<vmem>> -> memref<128x384xf32, #tpu.memory_space<vmem>>
        %gather3A_433 = tpu.vector_load_idx %gather3A_432[%and3A_425, %and3A_428] : memref<128x384xf32, #tpu.memory_space<vmem>>[vector<16xi32>, vector<16xi32>], vector<16xf32>,
        %scatter3A = tpu.memref_slice %arg8[%mul3A_372] : memref<8192xf32, #tpu.memory_space<vmem>> -> memref<4096xf32, #tpu.memory_space<vmem>>
        tpu.vector_store_idx %scatter3A[%shift_right_logical3A_419], %gather3A_433 : memref<4096xf32, #tpu.memory_space<vmem>>[vector<16xi32>], vector<16xf32>,
        %while3A_434 = arith.constant 0 : i32
        scf.yield %while3A_434 : i32
      }
      %while3A_393 = arith.constant 1 : i32
      %while3A_394 = scf.for %while3A_408 = %while3A_390 to %while3A_386 step %while3A_393 iter_args(%while3A_409 = %while3A_392) -> (i32)  : i32 {
        %mul3A_410 = arith.constant 16 : i32
        %mul3A_411 = arith.muli %while3A_408, %mul3A_410 : i32
        %mul3A_412 = arith.constant 4112 : i32
        %mul3A_413 = arith.muli %select_n3A_351, %mul3A_412 : i32
        %add3A_414 = arith.addi %mul3A_413, %mul3A_411 : i32
        %get3A_415 = arith.index_cast %add3A_414 : i32 to index
        %get3A_416 = tpu.vector_load %arg6[%get3A_415] {strides = array<i32>} : memref<12336xi32, #tpu.memory_space<vmem>>, vector<16xi32>,
        %shift_right_logical3A_417 = arith.constant 16 : i32
        %shift_right_logical3A_418 = vector.broadcast %shift_right_logical3A_417 : i32 to vector<16xi32>
        %shift_right_logical3A_419 = arith.shrui %get3A_416, %shift_right_logical3A_418 : vector<16xi32>
        %shift_right_logical3A_420 = arith.constant 9 : i32
        %shift_right_logical3A_421 = vector.broadcast %shift_right_logical3A_420 : i32 to vector<16xi32>
        %shift_right_logical3A_422 = arith.shrui %get3A_416, %shift_right_logical3A_421 : vector<16xi32>
        %and3A_423 = arith.constant 127 : i32
        %and3A_424 = vector.broadcast %and3A_423 : i32 to vector<16xi32>
        %and3A_425 = arith.andi %shift_right_logical3A_422, %and3A_424 : vector<16xi32>
        %and3A_426 = arith.constant 511 : i32
        %and3A_427 = vector.broadcast %and3A_426 : i32 to vector<16xi32>
        %and3A_428 = arith.andi %get3A_416, %and3A_427 : vector<16xi32>
        %gather3A = arith.constant 1 : i32
        %gather3A_429 = arith.constant 0 : i32
        %gather3A_430 = arith.constant 0 : i32
        %gather3A_431 = tpu.memref_slice %arg7[%gather3A, %gather3A_429, %gather3A_430] : memref<2x128x384xf32, #tpu.memory_space<vmem>> -> memref<1x128x384xf32, #tpu.memory_space<vmem>>
        %gather3A_432 = tpu.memref_squeeze %gather3A_431 : memref<1x128x384xf32, #tpu.memory_space<vmem>> -> memref<128x384xf32, #tpu.memory_space<vmem>>
        %gather3A_433 = tpu.vector_load_idx %gather3A_432[%and3A_425, %and3A_428] : memref<128x384xf32, #tpu.memory_space<vmem>>[vector<16xi32>, vector<16xi32>], vector<16xf32>,
        %scatter3A = tpu.memref_slice %arg8[%mul3A_372] : memref<8192xf32, #tpu.memory_space<vmem>> -> memref<4096xf32, #tpu.memory_space<vmem>>
        tpu.vector_store_idx %scatter3A[%shift_right_logical3A_419], %gather3A_433 : memref<4096xf32, #tpu.memory_space<vmem>>[vector<16xi32>], vector<16xf32>,
        %while3A_434 = arith.constant 0 : i32
        scf.yield %while3A_434 : i32
      }
      %and3A_395 = arith.constant 15 : i32
      %and3A_396 = arith.andi %get3A_354, %and3A_395 : i32
      %ne3A_397 = arith.constant 0 : i32
      %ne3A_398 = arith.cmpi ne, %and3A_396, %ne3A_397 : i32
      %convert_element_type3A_399 = arith.extui %ne3A_398 : i1 to i32
      %cond3A_400 = arith.constant 0 : i32
      %cond3A_401 = arith.cmpi ne, %convert_element_type3A_399, %cond3A_400 : i32
      scf.if %cond3A_401 {
        %mul3A_408 = arith.constant 16 : i32
        %mul3A_409 = arith.muli %shift_right_logical3A_382, %mul3A_408 : i32
        %mul3A_410 = arith.constant 4112 : i32
        %mul3A_411 = arith.muli %select_n3A_351, %mul3A_410 : i32
        %add3A_412 = arith.addi %mul3A_411, %mul3A_409 : i32
        %get3A_413 = arith.index_cast %add3A_412 : i32 to index
        %get3A_414 = tpu.vector_load %arg6[%get3A_413] {strides = array<i32>} : memref<12336xi32, #tpu.memory_space<vmem>>, vector<16xi32>,
        %shift_right_logical3A_415 = arith.constant 16 : i32
        %shift_right_logical3A_416 = vector.broadcast %shift_right_logical3A_415 : i32 to vector<16xi32>
        %shift_right_logical3A_417 = arith.shrui %get3A_414, %shift_right_logical3A_416 : vector<16xi32>
        %shift_right_logical3A_418 = arith.constant 9 : i32
        %shift_right_logical3A_419 = vector.broadcast %shift_right_logical3A_418 : i32 to vector<16xi32>
        %shift_right_logical3A_420 = arith.shrui %get3A_414, %shift_right_logical3A_419 : vector<16xi32>
        %and3A_421 = arith.constant 127 : i32
        %and3A_422 = vector.broadcast %and3A_421 : i32 to vector<16xi32>
        %and3A_423 = arith.andi %shift_right_logical3A_420, %and3A_422 : vector<16xi32>
        %and3A_424 = arith.constant 511 : i32
        %and3A_425 = vector.broadcast %and3A_424 : i32 to vector<16xi32>
        %and3A_426 = arith.andi %get3A_414, %and3A_425 : vector<16xi32>
        %add3A_427 = vector.broadcast %mul3A_409 : i32 to vector<16xi32>
        %add3A_428 = arith.addi %add3A_427, %iota3A : vector<16xi32>
        %lt3A_429 = vector.broadcast %get3A_354 : i32 to vector<16xi32>
        %lt3A_430 = arith.cmpi slt, %add3A_428, %lt3A_429 : vector<16xi32>
        %gather3A = arith.constant 1 : i32
        %gather3A_431 = arith.constant 0 : i32
        %gather3A_432 = arith.constant 0 : i32
        %gather3A_433 = tpu.memref_slice %arg7[%gather3A, %gather3A_431, %gather3A_432] : memref<2x128x384xf32, #tpu.memory_space<vmem>> -> memref<1x128x384xf32, #tpu.memory_space<vmem>>
        %gather3A_434 = tpu.memref_squeeze %gather3A_433 : memref<1x128x384xf32, #tpu.memory_space<vmem>> -> memref<128x384xf32, #tpu.memory_space<vmem>>
        %gather3A_435 = tpu.vector_load_idx %gather3A_434[%and3A_423, %and3A_426] masked %lt3A_430 : memref<128x384xf32, #tpu.memory_space<vmem>>[vector<16xi32>, vector<16xi32>], vector<16xf32>, vector<16xi1>
        %scatter3A = tpu.memref_slice %arg8[%mul3A_372] : memref<8192xf32, #tpu.memory_space<vmem>> -> memref<4096xf32, #tpu.memory_space<vmem>>
        tpu.vector_store_idx %scatter3A[%shift_right_logical3A_417], %gather3A_435 masked %lt3A_430 : memref<4096xf32, #tpu.memory_space<vmem>>[vector<16xi32>], vector<16xf32>, vector<16xi1>
      } else {
      }
      %eq3A_402 = arith.constant 2 : i32
      %eq3A_403 = arith.cmpi eq, %select_n3A_351, %eq3A_402 : i32
      %convert_element_type3A_404 = arith.extui %eq3A_403 : i1 to i32
      %cond3A_405 = arith.constant 0 : i32
      %cond3A_406 = arith.cmpi ne, %convert_element_type3A_404, %cond3A_405 : i32
      scf.if %cond3A_406 {
        %jit3A_408 = arith.constant 96 : i32
        %div3A_409 = arith.divsi %add3A_352, %jit3A_408 : i32
        %sign3A_410 = arith.constant 0 : i32
        %sign3A_411 = arith.cmpi sgt, %add3A_352, %sign3A_410 : i32
        %sign3A_412 = arith.extui %sign3A_411 : i1 to i32
        %sign3A_413 = arith.constant 0 : i32
        %sign3A_414 = arith.cmpi slt, %add3A_352, %sign3A_413 : i32
        %sign3A_415 = arith.extui %sign3A_414 : i1 to i32
        %sign3A_416 = arith.subi %sign3A_412, %sign3A_415 : i32
        %sign3A_417 = arith.constant 0 : i32
        %sign3A_418 = arith.cmpi sgt, %jit3A_408, %sign3A_417 : i32
        %sign3A_419 = arith.extui %sign3A_418 : i1 to i32
        %sign3A_420 = arith.constant 0 : i32
        %sign3A_421 = arith.cmpi slt, %jit3A_408, %sign3A_420 : i32
        %sign3A_422 = arith.extui %sign3A_421 : i1 to i32
        %sign3A_423 = arith.subi %sign3A_419, %sign3A_422 : i32
        %ne3A_424 = arith.cmpi ne, %sign3A_416, %sign3A_423 : i32
        %rem3A_425 = arith.remsi %add3A_352, %jit3A_408 : i32
        %ne3A_426 = arith.constant 0 : i32
        %ne3A_427 = arith.cmpi ne, %rem3A_425, %ne3A_426 : i32
        %and3A_428 = arith.andi %ne3A_424, %ne3A_427 : i1
        %sub3A_429 = arith.constant 1 : i32
        %sub3A_430 = arith.subi %div3A_409, %sub3A_429 : i32
        %select_n3A_431 = arith.select %and3A_428, %sub3A_430, %div3A_409 : i32
        %jit3A_432 = arith.constant 96 : i32
        %eq3A_433 = arith.constant 0 : i32
        %eq3A_434 = arith.cmpi eq, %jit3A_432, %eq3A_433 : i32
        %jit3A_435 = arith.constant 1 : i32
        %select_n3A_436 = arith.select %eq3A_434, %jit3A_435, %jit3A_432 : i32
        %rem3A_437 = arith.remsi %add3A_352, %select_n3A_436 : i32
        %ne3A_438 = arith.constant 0 : i32
        %ne3A_439 = arith.cmpi ne, %rem3A_437, %ne3A_438 : i32
        %lt3A_440 = arith.constant 0 : i32
        %lt3A_441 = arith.cmpi slt, %rem3A_437, %lt3A_440 : i32
        %lt3A_442 = arith.constant 0 : i32
        %lt3A_443 = arith.cmpi slt, %select_n3A_436, %lt3A_442 : i32
        %ne3A_444 = arith.xori %lt3A_441, %lt3A_443 : i1
        %and3A_445 = arith.andi %ne3A_444, %ne3A_439 : i1
        %add3A_446 = arith.addi %rem3A_437, %select_n3A_436 : i32
        %select_n3A_447 = arith.select %and3A_445, %add3A_446, %rem3A_437 : i32
        %dma_start3A_448 = tpu.memref_slice %arg8[%mul3A_372] : memref<8192xf32, #tpu.memory_space<vmem>> -> memref<4096xf32, #tpu.memory_space<vmem>>
        %dma_start3A_449 = arith.constant 0 : i32
        %dma_start3A_450 = tpu.memref_slice %arg4[%select_n3A_431, %select_n3A_447, %dma_start3A_449] : memref<4x96x4096xf32, #tpu.memory_space<hbm>> -> memref<1x1x4096xf32, #tpu.memory_space<hbm>>
        %dma_start3A_451 = tpu.memref_squeeze %dma_start3A_450 : memref<1x1x4096xf32, #tpu.memory_space<hbm>> -> memref<4096xf32, #tpu.memory_space<hbm>>
        %dma_start3A_452 = arith.constant 0 : i32
        %dma_start3A_453 = tpu.memref_slice %arg4[%select_n3A_431, %select_n3A_447, %dma_start3A_452] : memref<4x96x4096xf32, #tpu.memory_space<hbm>> -> memref<1x1x4096xf32, #tpu.memory_space<hbm>>
        %dma_start3A_454 = tpu.memref_squeeze %dma_start3A_453 : memref<1x1x4096xf32, #tpu.memory_space<hbm>> -> memref<4096xf32, #tpu.memory_space<hbm>>
        %dma_start3A_455 = tpu.memref_slice %arg8[%mul3A_372] : memref<8192xf32, #tpu.memory_space<vmem>> -> memref<4096xf32, #tpu.memory_space<vmem>>
        tpu.enqueue_dma source(%dma_start3A_455 : memref<4096xf32, #tpu.memory_space<vmem>>) target(%dma_start3A_454 : memref<4096xf32, #tpu.memory_space<hbm>>) target_semaphore(%arg12 : memref<!tpu.dma_semaphore, #tpu.memory_space<semaphore_mem>>)
      } else {
      }
      %scan3A_407 = arith.constant 0 : i32
      scf.yield %scan3A_407 : i32
    }
    %scan3A_144 = arith.constant 18 : i32
    %dma_wait3A = arith.constant 0 : i32
    %dma_wait3A_145 = arith.constant 0 : i32
    %dma_wait3A_146 = arith.constant 0 : i32
    %dma_wait3A_147 = tpu.memref_slice %arg8[%dma_wait3A_146] : memref<8192xf32, #tpu.memory_space<vmem>> -> memref<4096xf32, #tpu.memory_space<vmem>>
    %dma_wait3A_148 = arith.constant 0 : i32
    %dma_wait3A_149 = tpu.memref_slice %arg4[%dma_wait3A, %dma_wait3A_145, %dma_wait3A_148] : memref<4x96x4096xf32, #tpu.memory_space<hbm>> -> memref<1x1x4096xf32, #tpu.memory_space<hbm>>
    %dma_wait3A_150 = tpu.memref_squeeze %dma_wait3A_149 : memref<1x1x4096xf32, #tpu.memory_space<hbm>> -> memref<4096xf32, #tpu.memory_space<hbm>>
    %dma_wait3A_151 = arith.constant 0 : i32
    %dma_wait3A_152 = tpu.memref_slice %arg4[%dma_wait3A, %dma_wait3A_145, %dma_wait3A_151] : memref<4x96x4096xf32, #tpu.memory_space<hbm>> -> memref<1x1x4096xf32, #tpu.memory_space<hbm>>
    %dma_wait3A_153 = tpu.memref_squeeze %dma_wait3A_152 : memref<1x1x4096xf32, #tpu.memory_space<hbm>> -> memref<4096xf32, #tpu.memory_space<hbm>>
    %dma_wait3A_154 = arith.constant 0 : i32
    %dma_wait3A_155 = tpu.memref_slice %arg8[%dma_wait3A_154] : memref<8192xf32, #tpu.memory_space<vmem>> -> memref<4096xf32, #tpu.memory_space<vmem>>
    tpu.wait_dma2 semaphore(%arg12 : memref<!tpu.dma_semaphore, #tpu.memory_space<semaphore_mem>>) src(%dma_wait3A_155 : memref<4096xf32, #tpu.memory_space<vmem>>) dst(%dma_wait3A_153 : memref<4096xf32, #tpu.memory_space<hbm>>)
    %dma_wait3A_156 = arith.constant 0 : i32
    %dma_wait3A_157 = arith.constant 0 : i32
    %dma_wait3A_158 = arith.constant 0 : i32
    %dma_wait3A_159 = tpu.memref_slice %arg8[%dma_wait3A_158] : memref<8192xf32, #tpu.memory_space<vmem>> -> memref<4096xf32, #tpu.memory_space<vmem>>
    %dma_wait3A_160 = arith.constant 0 : i32
    %dma_wait3A_161 = tpu.memref_slice %arg4[%dma_wait3A_156, %dma_wait3A_157, %dma_wait3A_160] : memref<4x96x4096xf32, #tpu.memory_space<hbm>> -> memref<1x1x4096xf32, #tpu.memory_space<hbm>>
    %dma_wait3A_162 = tpu.memref_squeeze %dma_wait3A_161 : memref<1x1x4096xf32, #tpu.memory_space<hbm>> -> memref<4096xf32, #tpu.memory_space<hbm>>
    %dma_wait3A_163 = arith.constant 0 : i32
    %dma_wait3A_164 = tpu.memref_slice %arg4[%dma_wait3A_156, %dma_wait3A_157, %dma_wait3A_163] : memref<4x96x4096xf32, #tpu.memory_space<hbm>> -> memref<1x1x4096xf32, #tpu.memory_space<hbm>>
    %dma_wait3A_165 = tpu.memref_squeeze %dma_wait3A_164 : memref<1x1x4096xf32, #tpu.memory_space<hbm>> -> memref<4096xf32, #tpu.memory_space<hbm>>
    %dma_wait3A_166 = arith.constant 0 : i32
    %dma_wait3A_167 = tpu.memref_slice %arg8[%dma_wait3A_166] : memref<8192xf32, #tpu.memory_space<vmem>> -> memref<4096xf32, #tpu.memory_space<vmem>>
    tpu.wait_dma2 semaphore(%arg12 : memref<!tpu.dma_semaphore, #tpu.memory_space<semaphore_mem>>) src(%dma_wait3A_167 : memref<4096xf32, #tpu.memory_space<vmem>>) dst(%dma_wait3A_165 : memref<4096xf32, #tpu.memory_space<hbm>>)
    return
  }
}

</mosaic_0001>

<sc_bundles>
// kernel: kernel.3.cloned.1.call-start
scs
__scs_entry_jumppad:
0x0: {  	(pc) =	sbr.rel $0x88, $3  }
0x1: {  	(tag) =	ssettag $0x0;
	lr =	simm.s32 $0x1  }
0x2: {  	[smem:$0x3F9F] =	sst lr;
	_ =	strace $0xD0000000  }
0x3: {  	_ = 	snop  }
0x4: {  	_ = 	snop  }
0x5: {  	_ = 	snop  }
0x6: {  	_ = 	snop  }
0x7: {  	_ = 	snop  }
__scs_overlays_trampoline_lowered:
0x8: {  	[smem:$0x3FAE] =	sst s0  }
0x9: {  	[smem:$0x3FAF] =	sst s1  }
0xa: {  	[smem:$0x3FB0] =	sst s2  }
0xb: {  	[smem:$0x3FB1] =	sst s3  }
0xc: {  	[smem:$0x3FB2] =	sst s4  }
0xd: {  	[smem:$0x3FB3] =	sst s5  }
0xe: {  	[smem:$0x3FB4] =	sst s6  }
0xf: {  	[smem:$0x3FB5] =	sst s7  }
0x10: {  	[smem:$0x3FB6] =	sst s8  }
0x11: {  	[smem:$0x3FB7] =	sst s9;
	s0 =	simm.s32 @!p0 $0x0  }
0x12: {  	s1 =	sld [smem:$0x3F9D];
	s0 =	simm.s32 @p0 $0x1  }
0x13: {  	[smem:$0x3FB8] =	sst s0;
	s0 =	simm.s32 @!p1 $0x0  }
0x14: {  	s2 =	sld [smem:$0x3F9C];
	s0 =	simm.s32 @p1 $0x1  }
0x15: {  	[smem:$0x3FB9] =	sst s0;
	s0 =	simm.s32 @!p2 $0x0  }
0x16: {  	s3 =	sld [smem:$0x3FDB];
	s0 =	simm.s32 @p2 $0x1  }
0x17: {  	s4 =	simm.s32 $0x1BF5;
	[smem:$0x3FBB] =	sst s0  }
0x18: {  	s0 =	sld [smem:$0x3F9E];
	_ =	swait.ge [sflag:s4], $0x0  }
0x19: {  	s7 =	sld [smem:$0x3F9F]  }
0x1a: {  	s8 =	sadd.s32 $0xFFFFE003, lr  }
0x1b: {  	s9 =	sadd.s32 $0xFFFFFEF7, lr;
	s5 =	simm.s32 $0xFFFFFFFF;
	p2 =	slt.u32 s8, $0xFFFFF086  }
0x1c: {  	p1 =	slt.u32 s9, $0xF7A;
	s5 =	simm.s32 @!p2 $0x0  }
0x1d: {  	s5 =	simm.s32 @p1 $0x1;
	p0 =	seq.s32 s7, s2  }
0x1e: {  	s7 =	smul.u32 @!p0 $0xF7A, s2;
	p2 =	seq.s32 @!p0 s5, $0x0  }
0x1f: {  	s9 =	smul.u32 $0xF7A, s1;
	s8 =	simm.s32 @!p0 $0x1BF5;
	p2 =	por !p2, p0  }
0x20: {  	[sflag:s8] =	ssyncset.s32 @!p0 $0xFFFFF086;
	s6 =	sadd.s32 @!p0 s3, s7;
	s7 =	simm.s32 @!p0 $0x108  }
0x21: {  	s3 =	sadd.s32 s3, s9;
	s6 =	sadd.s32 @!p0 $0x88, s6;
	s7 =	simm.s32 @p2 $0x1082  }
0x22: {  	[simem:s7], [sflag:s8] =	dma.local @!p0 [hbm:s6], $0xF7A  }
0x23: {  	s9 =	sor.u32 $0xD0000000, s2;
	s6 =	simm.s32 $0x108;
	_ =	swait.ge @!p0 [sflag:s8], $0x0  }
0x24: {  	s3 =	sadd.s32 $0x88, s3;
	s6 =	simm.s32 @!p1 $0x1082;
	[sflag:s4] =	ssyncset.s32 $0xFFFFF086  }
0x25: {  	[simem:s6], [sflag:s4] =	dma.local [hbm:s3], $0xF7A  }
0x26: {  	[smem:$0x3F9F] =	sst s1;
	(tag) =	ssettag s2;
	_ =	strace s9  }
0x27: {  	s1 =	sld [smem:$0x3FAF]  }
0x28: {  	s2 =	sld [smem:$0x3FB0]  }
0x29: {  	s4 =	sld [smem:$0x3FB2]  }
0x2a: {  	p0 =	seq.s32 s5, $0x0;
	s5 =	sld [smem:$0x3FB3]  }
0x2b: {  	s6 =	sld [smem:$0x3FB4]  }
0x2c: {  	s7 =	sld [smem:$0x3FB5]  }
0x2d: {  	s3 =	simm.s32 $0x108;
	s8 =	sld [smem:$0x3FB6]  }
0x2e: {  	s3 =	simm.s32 @!p0 $0x1082;
	s9 =	sld [smem:$0x3FB7]  }
0x2f: {  	lr =	sadd.s32 s0, s3;
	s0 =	sld [smem:$0x3FAE]  }
0x30: {  	s3 =	sld [smem:$0x3FB1]  }
0x31: {  	[smem:$0x3FBA] =	sst s10  }
0x32: {  	s10 =	sld [smem:$0x3FB8];
	_ =	sdelay $0x3  }
0x33: {  	p0 =	seq.s32 s10, $0x1;
	s10 =	sld [smem:$0x3FBA];
	_ =	sdelay $0x3  }
0x34: {  	[smem:$0x3FBA] =	sst s10  }
0x35: {  	s10 =	sld [smem:$0x3FB9];
	_ =	sdelay $0x3  }
0x36: {  	p1 =	seq.s32 s10, $0x1;
	s10 =	sld [smem:$0x3FBA];
	_ =	sdelay $0x3  }
0x37: {  	[smem:$0x3FBA] =	sst s10  }
0x38: {  	s10 =	sld [smem:$0x3FBB]  }
0x39: {  	_ = 	snop;
	(pc) =	sbr.ind lr, $3  }
0x3a: {  	_ = 	snop  }
0x3b: {  	_ = 	snop  }
0x3c: {  	p2 =	seq.s32 s10, $0x1;
	s10 =	sld [smem:$0x3FBA]  }
0x3d: {  	_ =	shalt  }
0x3e: {  	_ =	shalt  }
0x3f: {  	_ =	shalt  }
0x40: {  	_ =	shalt  }
0x41: {  	_ =	shalt  }
0x42: {  	_ =	shalt  }
0x43: {  	_ =	shalt  }
0x44: {  	_ =	shalt  }
0x45: {  	_ =	shalt  }
0x46: {  	_ =	shalt  }
0x47: {  	_ =	shalt  }
0x48: {  	_ =	shalt  }
0x49: {  	_ =	shalt  }
0x4a: {  	_ =	shalt  }
0x4b: {  	_ =	shalt  }
0x4c: {  	_ =	shalt  }
0x4d: {  	_ =	shalt  }
0x4e: {  	_ =	shalt  }
0x4f: {  	_ =	shalt  }
0x50: {  	_ =	shalt  }
0x51: {  	_ =	shalt  }
0x52: {  	_ =	shalt  }
0x53: {  	_ =	shalt  }
0x54: {  	_ =	shalt  }
0x55: {  	_ =	shalt  }
0x56: {  	_ =	shalt  }
0x57: {  	_ =	shalt  }
0x58: {  	_ =	shalt  }
0x59: {  	_ =	shalt  }
0x5a: {  	_ =	shalt  }
0x5b: {  	_ =	shalt  }
0x5c: {  	_ =	shalt  }
0x5d: {  	_ =	shalt  }
0x5e: {  	_ =	shalt  }
0x5f: {  	_ =	shalt  }
0x60: {  	_ =	shalt  }
0x61: {  	_ =	shalt  }
0x62: {  	_ =	shalt  }
0x63: {  	_ =	shalt  }
0x64: {  	_ =	shalt  }
0x65: {  	_ =	shalt  }
0x66: {  	_ =	shalt  }
0x67: {  	_ =	shalt  }
0x68: {  	_ =	shalt  }
0x69: {  	_ =	shalt  }
0x6a: {  	_ =	shalt  }
0x6b: {  	_ =	shalt  }
0x6c: {  	_ =	shalt  }
0x6d: {  	_ =	shalt  }
0x6e: {  	_ =	shalt  }
0x6f: {  	_ =	shalt  }
0x70: {  	_ =	shalt  }
0x71: {  	_ =	shalt  }
0x72: {  	_ =	shalt  }
0x73: {  	_ =	shalt  }
0x74: {  	_ =	shalt  }
0x75: {  	_ =	shalt  }
0x76: {  	_ =	shalt  }
0x77: {  	_ =	shalt  }
0x78: {  	_ =	shalt  }
0x79: {  	_ =	shalt  }
0x7a: {  	_ =	shalt  }
0x7b: {  	_ =	shalt  }
0x7c: {  	_ =	shalt  }
0x7d: {  	_ =	shalt  }
0x7e: {  	_ =	shalt  }
0x7f: {  	_ =	shalt  }
0x80: {  	_ =	shalt  }
0x81: {  	_ =	shalt  }
0x82: {  	_ =	shalt  }
0x83: {  	_ =	shalt  }
0x84: {  	_ =	shalt  }
0x85: {  	_ =	shalt  }
0x86: {  	_ =	shalt  }
0x87: {  	_ =	shalt  }
.Lfunc_end0:
.L_simem_size_0:
called_computation_lowered:
.L_overlay_start_0:
0x88: {  	s2 =	sld [smem:$0x3FD9]  }
0x89: {  	s3 =	sld [smem:$0x3FFE];
	_ =	sdelay $0x1  }
0x8a: {  	s1 =	srdreg.scid  }
0x8b: {  	s0 =	sand.u32 $0x1, s1  }
0x8c: {  	s17 =	sshll.u32 s0, $0xA;
	s2 =	sadd.s32 s3, s2  }
0x8d: {  	s2 =	sadd.s32 s2, s17  }
0x8e: {  	[smem:$0x3FC6] =	sst s2  }
0x8f: {  	_ = 	snop  }
0x90: {  	s2 =	sld [smem:$0x3FC9]  }
0x91: {  	s18 =	sld [smem:$0x3FD0];
	(tm) =	ssettm $0x1  }
0x92: {  	s4 =	sld [smem:$0x3FFB];
	_ =	sdelay $0x3  }
0x93: {  	_ =	strace s4  }
0x94: {  	s4 =	sld [smem:$0x3FFC];
	_ =	sdelay $0x3  }
0x95: {  	_ =	strace s4  }
0x96: {  	s4 =	sld [smem:$0x3FFD];
	_ =	sdelay $0x3  }
0x97: {  	_ =	strace s4  }
0x98: {  	_ =	strace $0x8FFFFFFF  }
0x99: {  	s19 =	sld [smem:$0x3FDB];
	_ =	sdelay $0x1  }
0x9a: {  	s5 =	simm.s32 $_scs_section_size  }
0x9b: {  	s6 =	simm.s32 $_size__tile_overlayer_lowered;
	s7 =	simm.s32 $_tile_overlayer_lowered  }
0x9c: {  	s22 =	simm.s32 $0x1BFF;
	s21 =	sshll.u32 s7, $0x1;
	s4 =	sadd.s32 s5, s19  }
0x9d: {  	s8 =	simm.s32 $0x0;
	s20 =	sshll.u32 s6, $0x1;
	s6 =	sadd.s32 s21, s4  }
0x9e: {  	[timem:s8], [sflag:s22] =	dma.local [hbm:s6], s20  }
0x9f: {  	_ =	swait.ge [sflag:s22], s20  }
0xa0: {  	s5 =	ssub.s32 $0x0, s20;
	[sflag:s22] =	ssyncset.done $0x0  }
0xa1: {  	[sflag:s22] =	ssyncadd.s32 s5;
	_ =	sdelay $0x1  }
0xa2: {  	s23 =	simm.s32 $0x1B8B  }
0xa3: {  	_ =	swait.ge [sflag:s23], $0x1  }
0xa4: {  	[sflag:s23] =	ssyncset.done $0x0  }
0xa5: {  	s25 =	simm.s32 $0x1B8E;
	s24 =	sld [smem:$0x3FFE];
	[sflag:s23] =	ssyncadd.s32 $0xFFFFFFFF  }
0xa6: {  	s26 =	simm.s32 $execute0_lowered;
	[smem:$0x3FD2] =	sst s25  }
0xa7: {  	s6 =	sshll.u32 s26, $0x1;
	_ =	strace $0x80000046;
	[dreg:$0x1] =	wrdreg $0xFFFFFFFF  }
0xa8: {  	s28 =	simm.s32 $_size_execute0_lowered;
	s4 =	sadd.s32 s4, s6;
	[dreg:$0x0] =	wrdreg $0x0  }
0xa9: {  	s6 =	sshll.u32 s28, $0x1;
	[dreg:$0x2] =	wrdreg s4  }
0xaa: {  	[dreg:$0x3] =	wrdreg s6  }
0xab: {  	[dreg:$0x4] =	wrdreg $0xC0  }
0xac: {  	_ =	task [dreg:s8], $0x5FFFF  }
0xad: {  	[dreg:$0x1] =	wrdreg $0xFFFFFFFF  }
0xae: {  	[dreg:$0x0] =	wrdreg $0x60  }
0xaf: {  	[dreg:$0x2] =	wrdreg s2  }
0xb0: {  	[dreg:$0x3] =	wrdreg s24  }
0xb1: {  	[dreg:$0x4] =	wrdreg s18  }
0xb2: {  	[dreg:$0x5] =	wrdreg $0x9  }
0xb3: {  	_ =	task.clear_ibuf [dreg:s8], $0x6FFFF;
	_ =	strace $0x90000046  }
0xb4: {  	s29 =	simm.s32 $0x9;
	_ =	strace $0x80000048  }
0xb5: {  	_ =	swait.ge [sflag:s29], $0x1  }
0xb6: {  	[sflag:s29] =	ssyncadd.s32 $0xFFFFFFFF  }
0xb7: {  	_ =	strace $0x90000048  }
0xb8: {  	_ =	sfence  }
0xb9: {  	s30 =	sld [smem:$0x0];
	_ =	sdelay $0x2  }
0xba: {  	s31 =	sshll.u32 s1, $0xD;
	s1 =	sshrl.u32 s1, $0x2  }
0xbb: {  	s3 =	sand.u32 $0x4000, s31;
	s1 =	sadd.s32 s1, s30  }
0xbc: {  	s0 =	sor.u32 s3, s0;
	s1 =	sshll.u32 s1, $0x11  }
0xbd: {  	s0 =	sor.u32 s1, s0  }
0xbe: {  	s0 =	sadd.s32 $0x8F2B, s0  }
0xbf: {  	[sflag:s0] =	ssyncadd.remote.s32 $0x1  }
0xc0: {  	_ =	sfence.sel $0xFFFF  }
0xc1: {  	[dreg:$0x0] =	wrdreg $0xFFFFFFFF;
	(pc) =	sbr.abs _section_cstart, $3  }
0xc2: {  	[dreg:$0x1] =	wrdreg $0xFFFFFFFF  }
0xc3: {  	_ =	task.clear_ibuf [dreg:s8], $0x2FFFF;
	_ =	strace $0x9FFFFFFF  }
0xc4: {  	(tm) =	ssettm $0x7FFFFFFF  }
0xc5: {  	_ =	shalt  }
tec
execute0_lowered:
.L_overlay_start_1:
0x0: {  	(tag) =	ssettag $0x1  }
0x1: {  	s1 =	srdreg.scid;
	s0 =	stileid.u32  }
0x2: {  	s6 =	sand.u32 $0x1, s1;
	s29 =	sshll.u32 s0, $0x1  }
0x3: {  	s1 =	sor.u32 s6, s29  }
0x4: {  	s2 =	smul.u32 $0x2004, s1;
	_ =	sdelay $0x1  }
0x5: {  	s1 =	smul.u32 $0xC, s1;
	s2 =	sshrl.u32 s2, $0x10  }
0x6: {  	s7 =	rddreg [dreg:$0x1];
	s5 =	simm.s32 $0x0;
	s3 =	smul.u32 $0x60, s2  }
0x7: {  	s11 =	simm.s32 $0x5080;
	s12 =	simm.s32 $0x11080;
	s13 =	simm.s32 $0x1  }
0x8: {  	s14 =	simm.s32 $0x2;
	s4 =	sshrl.u32 s0, $0x2;
	s3 =	ssub.s32 s1, s3  }
0x9: {  	s15 =	simm.s32 $0x3;
	s8 =	smul.u32 $0xD80000, s4;
	s3 =	sand.u32 $0xFFFC, s3  }
0xa: {  	s16 =	simm.s32 $0x0;
	[smem:$0x7FF] =	sst s5;
	s9 =	smul.u32 $0x24000, s3  }
.Ltmp0:
0xb: {  	s4 =	rddreg [dreg:$0x2];
	s10 =	ssub.s32 $0x2, s6;
	(pc) =	sbr.rel .LBB2_1-.Ltmp0, $4  }
0xc: {  	s6 =	sadd.s32 $0x400, s7;
	s31 =	sshrl.u32 s10, $0x1;
	s30 =	sadd.s32 s8, s9  }
0xd: {  	s10 =	ssub.s32 s10, s31;
	s2 =	rddreg [dreg:$0x0];
	s9 =	sshrl.u32 s30, $0x3  }
0xe: {  	v0 =	vlaneseq.u32;
	s3 =	rddreg [dreg:$0x3];
	_ =	strace $0x80000047;
	s7 =	sadd.s32 s2, s9  }
0xf: {  	v1 =	vimm.s32 $0x0;
	v0 =	vmul.u32 $0x10000, v0;
	s9 =	smax.u32 s10, $0x1;
	s10 =	simm.s32 $0x4;
	s8 =	sadd.s32 $0x1800, s7  }
.LBB2_17:
0x10: {  	s16 =	sadd.s32 $0x1, s16  }
0x11: {  	_ =	swait.ge [sflag:s15], $0x1000;
	p0 =	sne.s32 s16, s9  }
.Ltmp1:
0x12: {  	[sflag:s15] =	ssyncset.done $0x0;
	(pc) =	sbr.rel @!p0 .LBB2_18-.Ltmp1, $4  }
0x13: {  	[sflag:s15] =	ssyncadd.s32 $0xFFFFF000  }
0x14: {  	_ =	swait.ge [sflag:s15], $0x1000  }
0x15: {  	[sflag:s15] =	ssyncset.done $0x0  }
0x16: {  	[sflag:s15] =	ssyncadd.s32 $0xFFFFF000  }
.LBB2_1:
0x17: {  	[tilespmem:s5], [sflag:$0x4] =	stream.linear.gather [hbm4b:s6+s5], $0x2000, $0x38;
	[tilespmem:$0x1F080] =	vst v63  }
0x18: {  	_ =	swait.ge [sflag:s10], $0x2000  }
0x19: {  	[sflag:s10] =	ssyncset.done $0x0  }
0x1a: {  	[sflag:s10] =	ssyncadd.s32 $0xFFFFE000  }
0x1b: {  	[tilespmem:s11], [sflag:$0x1] =	stream.linear.gather [hbm4b:s7+s5], $0xC000, $0x38;
	[tilespmem:$0x1F080] =	vst v63  }
0x1c: {  	_ = 	snop  }
0x1d: {  	[tilespmem:s12], [sflag:$0x2] =	stream.linear.gather [hbm4b:s8+s5], $0xC000, $0x38;
	[tilespmem:$0x1F080] =	vst v63  }
0x1e: {  	v2 =	vld [tilespmem:s5+$0x0];
	_ =	sdelay $0x4  }
0x1f: {  	vm0 =	vlt.u32 v2, $0x80  }
0x20: {  	v3 =	vsel vm0, $0x1, v1  }
0x21: {  	(xrf0) =	vadd.scan.msk.s32 $0xffff, v3  }
0x22: {  	s17 =	sand.u32 $0xFF0, s5;
	v4 =	vmov s5  }
0x23: {  	v4 =	vshll.u32 v4, $0x10;
	v3 =	vld [tilespmem:s17+$0x1000]  }
0x24: {  	v4 =	vor.u32 v0, v4  }
0x25: {  	v2 =	vshll.u32 v2, $0x9  }
0x26: {  	v2 =	vand.u32 $0xFE00, v2  }
0x27: {  	v2 =	vor.u32 v4, v2;
	v4, _, _ =	vpop (xrf0)  }
0x28: {  	v2 =	vor.u32 v3, v2;
	(v2sf) =	vpush v4, $0xF  }
0x29: {  	s17 =	simm.s32 $0x10;
	[tilespmem:s5+$0x2000] =	vst.msk vm0, v2  }
0x2a: {  	v2 =	vld [tilespmem:s17+$0x0];
	_ =	sdelay $0x4  }
0x2b: {  	vm0 =	vlt.u32 v2, $0x80  }
0x2c: {  	v3 =	vsel vm0, $0x1, v1  }
0x2d: {  	s18 =	sand.u32 $0xFF0, s17;
	(xrf0) =	vadd.scan.msk.s32 $0xffff, v3  }
0x2e: {  	v3 =	vld [tilespmem:s18+$0x1000]  }
0x2f: {  	v4 =	vmov s17  }
0x30: {  	v4 =	vshll.u32 v4, $0x10;
	v2 =	vshll.u32 v2, $0x9  }
0x31: {  	v4 =	vor.u32 v0, v4;
	v2 =	vand.u32 $0xFE00, v2  }
0x32: {  	v2 =	vor.u32 v4, v2  }
0x33: {  	s19 =	simm.s32 $0x0;
	s18 =	simm.s32 $0x20;
	v2 =	vor.u32 v3, v2;
	v3, _, _ =	vpop (xrf0);
	s20 =	spop (v2sf)  }
.LBB2_2:
0x34: {  	p0 =	sne.s32 s18, $0xFF0  }
0x35: {  	v4 =	vmov s18;
	(v2sf) =	vpush v3, $0xF;
	s19 =	sadd.s32 s19, s20;
	s20 =	smov.u32 s18;
	s18 =	sadd.s32 $0x10, s18  }
0x36: {  	s17 =	sadd.s32 $0x10, s17;
	v3 =	vshll.u32 v4, $0x10;
	[tilespmem:s19+$0x2000] =	vst.msk vm0, v2  }
0x37: {  	v2 =	vld [tilespmem:s17+$0x0];
	_ =	sdelay $0x1  }
0x38: {  	s20 =	sand.u32 $0xFF0, s20  }
0x39: {  	v4 =	vld [tilespmem:s20+$0x1000];
	_ =	sdelay $0x1  }
0x3a: {  	v5 =	vshll.u32 v2, $0x9;
	vm0 =	vlt.u32 v2, $0x80  }
0x3b: {  	v2 =	vor.u32 v0, v3;
	v3 =	vand.u32 $0xFE00, v5;
	v5 =	vsel vm0, $0x1, v1  }
0x3c: {  	v2 =	vor.u32 v2, v3;
	(xrf0) =	vadd.scan.msk.s32 $0xffff, v5  }
0x3d: {  	v2 =	vor.u32 v4, v2  }
.Ltmp2:
0x3e: {  	(pc) =	sbr.rel @p0 .LBB2_2-.Ltmp2, $2  }
0x3f: {  	_ =	sdelay $0x2  }
0x40: {  	v3, _, _ =	vpop (xrf0);
	s20 =	spop (v2sf)  }
0x41: {  	s19 =	sadd.s32 s19, s20  }
0x42: {  	s17 =	simm.s32 $0x0;
	[tilespmem:s19+$0x2000] =	vst.msk vm0, v2  }
0x43: {  	v2 =	vld [tilespmem:s17+$0x0];
	_ =	sdelay $0x4  }
0x44: {  	v4 =	vand.u32 $0xFFFFFF80, v2  }
0x45: {  	vm0 =	veq.s32 v4, $0x80  }
0x46: {  	v4 =	vsel vm0, $0x1, v1  }
0x47: {  	(xrf0) =	vadd.scan.msk.s32 $0xffff, v4;
	_ =	sdelay $0x4  }
0x48: {  	s18 =	sand.u32 $0xFF0, s17  }
0x49: {  	(v2sf) =	vpush v3, $0xF;
	v61 =	vld [tilespmem:s18+$0x1000];
	v3, _, _ =	vpop (xrf0)  }
0x4a: {  	(v2sf) =	vpush v3, $0xF;
	v3 =	vmov s17  }
0x4b: {  	v2 =	vshll.u32 v2, $0x9;
	v3 =	vshll.u32 v3, $0x10  }
0x4c: {  	v2 =	vand.u32 $0xFE00, v2;
	v3 =	vor.u32 v0, v3  }
0x4d: {  	v2 =	vor.u32 v3, v2  }
0x4e: {  	v2 =	vor.u32 v61, v2  }
0x4f: {  	s18 =	simm.s32 $0x10;
	[tilespmem:s17+$0x3010] =	vst.msk vm0, v2  }
0x50: {  	v2 =	vld [tilespmem:s18+$0x0];
	_ =	sdelay $0x4  }
0x51: {  	v5 =	vshll.u32 v2, $0x9;
	v2 =	vand.u32 $0xFFFFFF80, v2  }
0x52: {  	s30 =	sand.u32 $0xFF0, s18;
	vm0 =	veq.s32 v2, $0x80  }
0x53: {  	v3 =	vld [tilespmem:s30+$0x1000];
	v63 =	vsel vm0, $0x1, v1  }
0x54: {  	v62 =	vmov s18;
	(xrf0) =	vadd.scan.msk.s32 $0xffff, v63  }
0x55: {  	v4 =	vshll.u32 v62, $0x10  }
0x56: {  	v4 =	vor.u32 v0, v4;
	s31 =	spop (v2sf);
	v5 =	vand.u32 $0xFE00, v5  }
0x57: {  	s19 =	sadd.s32 s19, s31;
	v2 =	vor.u32 v4, v5  }
0x58: {  	[smem:$0x0] =	sst s19;
	s19 =	simm.s32 $0x20;
	v2 =	vor.u32 v3, v2;
	s20 =	spop (v2sf)  }
.LBB2_4:
0x59: {  	p0 =	sne.s32 s19, $0xFF0  }
0x5a: {  	v3 =	vmov s19;
	v4, _, _ =	vpop (xrf0);
	s17 =	sadd.s32 s17, s20;
	s20 =	smov.u32 s19;
	s19 =	sadd.s32 $0x10, s19  }
0x5b: {  	v3 =	vshll.u32 v3, $0x10;
	[tilespmem:s17+$0x3010] =	vst.msk vm0, v2;
	(v2sf) =	vpush v4, $0xF  }
0x5c: {  	s18 =	sadd.s32 $0x10, s18  }
0x5d: {  	v2 =	vld [tilespmem:s18+$0x0];
	_ =	sdelay $0x1  }
0x5e: {  	s20 =	sand.u32 $0xFF0, s20  }
0x5f: {  	v4 =	vld [tilespmem:s20+$0x1000];
	_ =	sdelay $0x1  }
0x60: {  	v5 =	vshll.u32 v2, $0x9;
	v2 =	vand.u32 $0xFFFFFF80, v2  }
0x61: {  	v3 =	vor.u32 v0, v3;
	v5 =	vand.u32 $0xFE00, v5;
	vm0 =	veq.s32 v2, $0x80  }
0x62: {  	v2 =	vor.u32 v3, v5;
	v3 =	vsel vm0, $0x1, v1  }
0x63: {  	v2 =	vor.u32 v4, v2;
	(xrf0) =	vadd.scan.msk.s32 $0xffff, v3  }
.Ltmp3:
0x64: {  	(pc) =	sbr.rel @p0 .LBB2_4-.Ltmp3, $2  }
0x65: {  	_ =	sdelay $0x2  }
0x66: {  	s20 =	spop (v2sf)  }
0x67: {  	s19 =	sadd.s32 s17, s20  }
0x68: {  	s17 =	simm.s32 $0x0;
	[tilespmem:s19+$0x3010] =	vst.msk vm0, v2  }
0x69: {  	v2 =	vld [tilespmem:s17+$0x0];
	_ =	sdelay $0x4  }
0x6a: {  	v3 =	vand.u32 $0xFFFFFF80, v2  }
0x6b: {  	vm0 =	veq.s32 v3, $0x100  }
0x6c: {  	v3 =	vsel vm0, $0x1, v1  }
0x6d: {  	(xrf0) =	vadd.scan.msk.s32 $0xffff, v3;
	_ =	sdelay $0x4  }
0x6e: {  	s18 =	sand.u32 $0xFF0, s17;
	v3, _, _ =	vpop (xrf0)  }
0x6f: {  	v4 =	vld [tilespmem:s18+$0x1000];
	(v2sf) =	vpush v3, $0xF;
	v3, _, _ =	vpop (xrf0)  }
0x70: {  	(v2sf) =	vpush v3, $0xF;
	v3 =	vmov s17  }
0x71: {  	v2 =	vshll.u32 v2, $0x9;
	v3 =	vshll.u32 v3, $0x10  }
0x72: {  	v2 =	vand.u32 $0xFE00, v2;
	v3 =	vor.u32 v0, v3  }
0x73: {  	v2 =	vor.u32 v3, v2  }
0x74: {  	v2 =	vor.u32 v4, v2  }
0x75: {  	s18 =	simm.s32 $0x10;
	[tilespmem:s17+$0x4020] =	vst.msk vm0, v2  }
0x76: {  	v2 =	vld [tilespmem:s18+$0x0];
	_ =	sdelay $0x4  }
0x77: {  	v5 =	vshll.u32 v2, $0x9;
	v2 =	vand.u32 $0xFFFFFF80, v2  }
0x78: {  	s30 =	sand.u32 $0xFF0, s18;
	vm0 =	veq.s32 v2, $0x100  }
0x79: {  	v3 =	vld [tilespmem:s30+$0x1000];
	v63 =	vsel vm0, $0x1, v1  }
0x7a: {  	v62 =	vmov s18;
	(xrf0) =	vadd.scan.msk.s32 $0xffff, v63  }
0x7b: {  	v4 =	vshll.u32 v62, $0x10  }
0x7c: {  	v4 =	vor.u32 v0, v4;
	s31 =	spop (v2sf);
	v5 =	vand.u32 $0xFE00, v5  }
0x7d: {  	s19 =	sadd.s32 s19, s31;
	v2 =	vor.u32 v4, v5  }
0x7e: {  	[smem:$0x1] =	sst s19;
	s19 =	simm.s32 $0x20;
	v2 =	vor.u32 v3, v2;
	s20 =	spop (v2sf)  }
.LBB2_6:
0x7f: {  	p0 =	sne.s32 s19, $0xFF0  }
0x80: {  	v3 =	vmov s19;
	v4, _, _ =	vpop (xrf0);
	s17 =	sadd.s32 s17, s20;
	s20 =	smov.u32 s19;
	s19 =	sadd.s32 $0x10, s19  }
0x81: {  	v3 =	vshll.u32 v3, $0x10;
	[tilespmem:s17+$0x4020] =	vst.msk vm0, v2;
	(v2sf) =	vpush v4, $0xF  }
0x82: {  	s18 =	sadd.s32 $0x10, s18  }
0x83: {  	v2 =	vld [tilespmem:s18+$0x0];
	_ =	sdelay $0x1  }
0x84: {  	s20 =	sand.u32 $0xFF0, s20  }
0x85: {  	v4 =	vld [tilespmem:s20+$0x1000];
	_ =	sdelay $0x1  }
0x86: {  	v5 =	vshll.u32 v2, $0x9;
	v2 =	vand.u32 $0xFFFFFF80, v2  }
0x87: {  	v3 =	vor.u32 v0, v3;
	v5 =	vand.u32 $0xFE00, v5;
	vm0 =	veq.s32 v2, $0x100  }
0x88: {  	v2 =	vor.u32 v3, v5;
	v3 =	vsel vm0, $0x1, v1  }
0x89: {  	v2 =	vor.u32 v4, v2;
	(xrf0) =	vadd.scan.msk.s32 $0xffff, v3  }
.Ltmp4:
0x8a: {  	(pc) =	sbr.rel @p0 .LBB2_6-.Ltmp4, $2  }
0x8b: {  	_ =	sdelay $0x2  }
0x8c: {  	s20 =	spop (v2sf)  }
0x8d: {  	v3, _, _ =	vpop (xrf0)  }
0x8e: {  	(v2sf) =	vpush v3, $0xF;
	_ =	sdelay $0xc  }
.Ltmp5:
0x8f: {  	_ = 	snop;
	(pc) =	sbr.rel .LBB2_8-.Ltmp5, $4  }
0x90: {  	_ = 	snop  }
0x91: {  	s19 =	sadd.s32 s17, s20;
	s18 =	simm.s32 $0x0;
	s31 =	spop (v2sf)  }
0x92: {  	s20 =	simm.s32 $0x1;
	s21 =	simm.s32 $0x0;
	s17 =	sadd.s32 s19, s31  }
0x93: {  	[tilespmem:s19+$0x4020] =	vst.msk vm0, v2;
	s19 =	simm.s32 $0x3010;
	[smem:$0x2] =	sst s17;
	s17 =	simm.s32 $0x2000  }
.LBB2_15:
0x94: {  	v3 =	vshrl.u32 v2, $0xC  }
0x95: {  	v3 =	vand.u32 $0xF, v3  }
0x96: {  	v4 =	vshll.u32 v2, $0x3;
	v3 =	vmul.u32 $0xC00, v3  }
0x97: {  	v5 =	vshrl.u32 v2, $0x2;
	v4 =	vand.u32 $0xC00, v4  }
0x98: {  	v62 =	vand.u32 $0x380, v5;
	v3 =	vadd.s32 v4, v3  }
0x99: {  	v63 =	vand.u32 $0x7F, v2;
	v3 =	vor.u32 v62, v3  }
0x9a: {  	v3 =	vor.u32 v63, v3;
	_ =	sdelay $0x4  }
0x9b: {  	v2 =	vshrl.u32 v2, $0x10;
	v3 =	vld.idx.msk [tilespmem:v3+s12+$0x0], $0xffff;
	_ =	sdelay $0x4  }
0x9c: {  	[tilespmem:v2+s26+$0x0] =	vst.idx.msk $0xffff, v3  }
.LBB2_16:
0x9d: {  	s26 =	sand.u32 $0xF, s23  }
0x9e: {  	p0 =	seq.s32 s26, $0x0  }
0x9f: {  	s26 =	smul.u32 @!p0 $0x4040, s25;
	_ =	sdelay $0x1  }
0xa0: {  	s28 =	sand.u32 @!p0 $0xFFFFFFF0, s23;
	s26 =	sshra.s32 @!p0 s26, $0x2  }
0xa1: {  	s26 =	sadd.s32 @!p0 s28, s26  }
0xa2: {  	v2 =	vld @!p0 [tilespmem:s26+$0x2000];
	_ =	sdelay $0x4  }
0xa3: {  	v3 =	vshrl.u32 @!p0 v2, $0xC  }
0xa4: {  	v3 =	vand.u32 @!p0 $0xF, v3  }
0xa5: {  	v4 =	vshll.u32 @!p0 v2, $0x3;
	v3 =	vmul.u32 @!p0 $0xC00, v3  }
0xa6: {  	v5 =	vlaneseq.u32 @!p0;
	v6 =	vshrl.u32 @!p0 v2, $0x2;
	v4 =	vand.u32 @!p0 $0xC00, v4  }
0xa7: {  	s24 =	sadd.s32 s1, s24;
	p1 =	sne.s32 s25, $0x2;
	v5 =	vor.u32 @!p0 s28, v5;
	v3 =	vadd.s32 @!p0 v4, v3;
	v4 =	vand.u32 @!p0 $0x380, v6  }
0xa8: {  	s25 =	smulhi.u32 @!p1 $0x2AAAAAAB, s24;
	vm0 =	vlt.s32 @!p0 v5, s23;
	v5 =	vand.u32 @!p0 $0x7F, v2;
	v3 =	vor.u32 @!p0 v4, v3  }
0xa9: {  	v3 =	vor.u32 @!p0 v5, v3  }
0xaa: {  	s23 =	sshrl.u32 @!p1 s25, $0x4  }
0xab: {  	s25 =	smul.u32 @!p1 $0x60, s23;
	_ =	sdelay $0x1  }
0xac: {  	s24 =	ssub.s32 @!p1 s24, s25;
	s25 =	simm.s32 @!p0 $0x11080  }
0xad: {  	v2 =	vshrl.u32 @!p0 v2, $0x10;
	v3 =	vld.idx.msk @!p0 [tilespmem:v3+s25+$0x0], vm0;
	_ =	sdelay $0x2  }
0xae: {  	s21 =	sadd.s32 $0x1, s21  }
0xaf: {  	s17 =	sadd.s32 $0x2020, s17;
	s23 =	smul.u32 @!p1 $0x60000, s23;
	s26 =	sshll.u32 @!p1 s24, $0xC  }
0xb0: {  	s24 =	sshll.u32 @!p1 s24, $0x7;
	s25 =	sand.u32 @!p1 $0x78000, s26;
	[tilespmem:v2+s22+$0x1D080] =	vst.idx.msk @!p0 vm0, v3;
	p0 =	sne.s32 s21, $0x12  }
.Ltmp6:
0xb1: {  	s24 =	sand.u32 @!p1 $0x380, s24;
	s23 =	sadd.s32 @!p1 s23, s25;
	(pc) =	sbr.rel @!p0 .LBB2_17-.Ltmp6, $4  }
0xb2: {  	s18 =	sadd.s32 $0x2, s18;
	s19 =	sadd.s32 $0x2020, s19;
	s23 =	sor.u32 @!p1 s24, s23  }
0xb3: {  	s20 =	sadd.s32 $0x2, s20;
	s25 =	simm.s32 @!p1 $0x400;
	s23 =	sshrl.u32 @!p1 s23, $0x3  }
0xb4: {  	s24 =	simm.s32 @!p1 $0x80;
	s23 =	sadd.s32 @!p1 s4, s23;
	s22 =	sadd.s32 @!p1 $0x1D080, s22  }
0xb5: {  	[hbm4b:s23+s24] =	stream.strided.scatter @!p1 [tilespmem:s22], [sflag:$0x3], $0x1000, s25, s24, $0x38;
	[tilespmem:$0x1F080] =	vst v63  }
.LBB2_8:
0xb6: {  	s22 =	sshll.u32 s21, $0x1;
	p0 =	seq.s32 s21, $0x0  }
0xb7: {  	s23 =	sor.u32 @!p0 $0x1, s22  }
0xb8: {  	s24 =	sand.u32 @!p0 $0xFF, s23  }
0xb9: {  	s24 =	smul.u32 @!p0 $0xAB, s24;
	_ =	sdelay $0x1  }
0xba: {  	s24 =	sshrl.u32 @!p0 s24, $0x9  }
0xbb: {  	s25 =	sadd.s32 @!p0 s24, s1;
	s24 =	smul.u32 @!p0 $0x3, s24  }
0xbc: {  	s26 =	smulhi.u32 @!p0 $0x2AAAAAB, s25;
	_ =	sdelay $0x1  }
0xbd: {  	s23 =	ssub.s32 @!p0 s23, s24;
	s28 =	smul.u32 @!p0 $0x60, s26  }
0xbe: {  	s23 =	sand.u32 @!p0 $0xFF, s23  }
0xbf: {  	s23 =	smul.u32 @!p0 $0xC000, s23;
	s25 =	ssub.s32 @!p0 s25, s28  }
0xc0: {  	s24 =	smul.u32 @!p0 $0x24000, s25  }
0xc1: {  	s25 =	smul.u32 @!p0 $0xD80000, s26  }
0xc2: {  	s29 =	smul.u32 $0xAB, s22;
	s23 =	sadd.s32 @!p0 s23, s24  }
0xc3: {  	s23 =	sadd.s32 @!p0 s25, s23  }
0xc4: {  	s31 =	sshrl.u32 s29, $0x9;
	s23 =	sshrl.u32 @!p0 s23, $0x3  }
0xc5: {  	s24 =	simm.s32 @!p0 $0x0;
	s25 =	simm.s32 @!p0 $0x11080;
	s23 =	sadd.s32 @!p0 s2, s23  }
0xc6: {  	[tilespmem:s25], [sflag:$0x2] =	stream.linear.gather @!p0 [hbm4b:s23+s24], $0xC000, $0x38;
	[tilespmem:$0x1F080] =	vst v63  }
0xc7: {  	s24 =	sand.u32 $0x7F, s31  }
0xc8: {  	s23 =	smul.u32 $0x3, s24  }
0xc9: {  	_ =	swait.ge [sflag:s13], $0xC000  }
0xca: {  	[sflag:s13] =	ssyncset.done $0x0;
	s23 =	ssub.s32 s22, s23  }
0xcb: {  	[sflag:s13] =	ssyncadd.s32 $0xFFFF4000;
	s25 =	sand.u32 $0xFF, s23  }
0xcc: {  	s26 =	sld [smem:s25+$0x0];
	_ =	sdelay $0x1  }
0xcd: {  	p0 =	slt.u32 s21, $0x3  }
0xce: {  	s23 =	sand.u32 @!p0 $0xFF, s23;
	s30 =	sshrl.u32 s26, $0x4  }
0xcf: {  	p1 =	sne.s32 @!p0 s23, $0x0;
	p2 =	seq.s32 s30, $0x0  }
.Ltmp7:
0xd0: {  	p1 =	por p1, p0;
	(pc) =	sbr.rel @p2 .LBB2_12-.Ltmp7, $4  }
0xd1: {  	s23 =	simm.s32 @!p1 $0x3  }
0xd2: {  	_ =	swait.ge @!p1 [sflag:s23], $0x1000  }
0xd3: {  	s28 =	sshll.u32 s29, $0x3;
	[sflag:s23] =	ssyncset.done @!p1 $0x0  }
0xd4: {  	[sflag:s23] =	ssyncadd.s32 @!p1 $0xFFFFF000;
	s23 =	sand.u32 $0x1000, s28  }
0xd5: {  	s28 =	smulhi.u32 $0xAAAAAAAB, s18;
	_ =	sdelay $0x1  }
0xd6: {  	s28 =	sshrl.u32 s28, $0x1  }
0xd7: {  	p1 =	sne.s32 s30, $0x1;
	s28 =	smul.u32 $0xFFFF3F40, s28  }
.Ltmp8:
0xd8: {  	_ = 	snop;
	(pc) =	sbr.rel @!p1 .LBB2_11-.Ltmp8, $4  }
0xd9: {  	_ = 	snop  }
0xda: {  	s28 =	sshra.s32 s28, $0x2  }
0xdb: {  	s29 =	sadd.s32 s28, s17  }
0xdc: {  	s30 =	sadd.s32 $0xFFFFFFFF, s30;
	s28 =	sadd.s32 $0x1D080, s23;
	v2 =	vld [tilespmem:s29+$0x0]  }
.LBB2_10:
0xdd: {  	p1 =	sne.s32 s30, $0x1;
	_ =	sdelay $0x3  }
0xde: {  	v3 =	vshrl.u32 v2, $0xC  }
0xdf: {  	v3 =	vand.u32 $0xF, v3  }
0xe0: {  	v4 =	vshll.u32 v2, $0x3;
	v3 =	vmul.u32 $0xC00, v3  }
0xe1: {  	v5 =	vshrl.u32 v2, $0x2;
	v4 =	vand.u32 $0xC00, v4  }
0xe2: {  	v3 =	vadd.s32 v4, v3;
	v4 =	vand.u32 $0x380, v5  }
0xe3: {  	v5 =	vand.u32 $0x7F, v2;
	v3 =	vor.u32 v4, v3  }
0xe4: {  	v3 =	vor.u32 v5, v3;
	_ =	sdelay $0x4  }
0xe5: {  	v3 =	vld.idx.msk [tilespmem:v3+s11+$0x0], $0xffff  }
0xe6: {  	v2 =	vshrl.u32 v2, $0x10;
	_ =	sdelay $0x1  }
.Ltmp9:
0xe7: {  	(pc) =	sbr.rel @p1 .LBB2_10-.Ltmp9, $3  }
0xe8: {  	_ =	sdelay $0x1  }
0xe9: {  	s29 =	sadd.s32 $0x10, s29;
	[tilespmem:v2+s28+$0x0] =	vst.idx.msk $0xffff, v3  }
0xea: {  	s30 =	sadd.s32 $0xFFFFFFFF, s30;
	v2 =	vld [tilespmem:s29+$0x0]  }
.LBB2_11:
0xeb: {  	_ =	sdelay $0x3  }
0xec: {  	v3 =	vshrl.u32 v2, $0xC  }
0xed: {  	v3 =	vand.u32 $0xF, v3  }
0xee: {  	v4 =	vshll.u32 v2, $0x3;
	v3 =	vmul.u32 $0xC00, v3  }
0xef: {  	v5 =	vshrl.u32 v2, $0x2;
	v4 =	vand.u32 $0xC00, v4  }
0xf0: {  	v62 =	vand.u32 $0x380, v5;
	v3 =	vadd.s32 v4, v3  }
0xf1: {  	v63 =	vand.u32 $0x7F, v2;
	v3 =	vor.u32 v62, v3  }
0xf2: {  	v3 =	vor.u32 v63, v3;
	_ =	sdelay $0x4  }
0xf3: {  	v2 =	vshrl.u32 v2, $0x10;
	v3 =	vld.idx.msk [tilespmem:v3+s11+$0x0], $0xffff;
	_ =	sdelay $0x4  }
0xf4: {  	[tilespmem:v2+s28+$0x0] =	vst.idx.msk $0xffff, v3  }
.LBB2_12:
0xf5: {  	s28 =	sand.u32 $0xF, s26  }
0xf6: {  	p1 =	seq.s32 s28, $0x0  }
0xf7: {  	s28 =	smul.u32 @!p1 $0x4040, s25;
	_ =	sdelay $0x1  }
0xf8: {  	s29 =	sand.u32 @!p1 $0xFFFFFFF0, s26;
	s28 =	sshrl.u32 @!p1 s28, $0x2  }
0xf9: {  	s28 =	sadd.s32 @!p1 s29, s28  }
0xfa: {  	v2 =	vld @!p1 [tilespmem:s28+$0x2000];
	_ =	sdelay $0x4  }
0xfb: {  	v3 =	vshrl.u32 @!p1 v2, $0xC  }
0xfc: {  	v3 =	vand.u32 @!p1 $0xF, v3  }
0xfd: {  	v4 =	vshll.u32 @!p1 v2, $0x3;
	v3 =	vmul.u32 @!p1 $0xC00, v3  }
0xfe: {  	v5 =	vlaneseq.u32 @!p1;
	v6 =	vshrl.u32 @!p1 v2, $0x2;
	v4 =	vand.u32 @!p1 $0xC00, v4  }
0xff: {  	s24 =	sadd.s32 s24, s1;
	p3 =	sne.s32 s25, $0x2;
	v5 =	vor.u32 @!p1 s29, v5;
	v3 =	vadd.s32 @!p1 v4, v3;
	v4 =	vand.u32 @!p1 $0x380, v6  }
0x100: {  	s25 =	smulhi.u32 @!p3 $0x2AAAAAB, s24;
	vm0 =	vlt.s32 @!p1 v5, s26;
	v5 =	vand.u32 @!p1 $0x7F, v2;
	v3 =	vor.u32 @!p1 v4, v3  }
0x101: {  	v3 =	vor.u32 @!p1 v5, v3  }
0x102: {  	s26 =	smul.u32 @!p3 $0x60, s25;
	_ =	sdelay $0x1  }
0x103: {  	s24 =	ssub.s32 @!p3 s24, s26  }
0x104: {  	s25 =	smul.u32 @!p3 $0x60000, s25;
	s26 =	simm.s32 @!p1 $0x5080;
	s28 =	sshll.u32 @!p3 s24, $0xC  }
0x105: {  	p2 =	seq.s32 s21, $0x11;
	s24 =	sshll.u32 @!p3 s24, $0x7;
	v2 =	vshrl.u32 @!p1 v2, $0x10;
	v3 =	vld.idx.msk @!p1 [tilespmem:v3+s26+$0x0], vm0;
	s26 =	sand.u32 @!p3 $0x78000, s28  }
0x106: {  	s24 =	sand.u32 @!p3 $0x380, s24;
	s25 =	sadd.s32 @!p3 s25, s26;
	s26 =	sadd.s32 @!p2 $0x2, s22  }
0x107: {  	s24 =	sor.u32 @!p3 s24, s25;
	s25 =	smulhi.u32 @!p2 $0x55555556, s26  }
0x108: {  	s30 =	simm.s32 @!p3 $0x400  }
0x109: {  	s28 =	sadd.s32 @!p3 $0x1D080, s23;
	s24 =	sshrl.u32 @!p3 s24, $0x3;
	s29 =	sadd.s32 @!p2 s1, s25  }
0x10a: {  	s24 =	sadd.s32 @!p3 s4, s24;
	[tilespmem:v2+s23+$0x1D080] =	vst.idx.msk @!p1 vm0, v3;
	s23 =	simm.s32 @!p3 $0x80;
	s31 =	smulhi.u32 @!p2 $0x2AAAAAAB, s29  }
0x10b: {  	[hbm4b:s24+s23] =	stream.strided.scatter @!p3 [tilespmem:s28], [sflag:$0x3], $0x1000, s30, s23, $0x38;
	[tilespmem:$0x1F080] =	vst v63  }
0x10c: {  	s25 =	smul.u32 @!p2 $0x3, s25;
	s23 =	sshrl.u32 @!p2 s31, $0x4  }
0x10d: {  	s24 =	smul.u32 @!p2 $0x60, s23  }
0x10e: {  	s25 =	ssub.s32 @!p2 s26, s25  }
0x10f: {  	s25 =	smul.u32 @!p2 $0xC000, s25;
	s24 =	ssub.s32 @!p2 s29, s24  }
0x110: {  	s24 =	smul.u32 @!p2 $0x24000, s24  }
0x111: {  	s23 =	smul.u32 @!p2 $0xD80000, s23  }
0x112: {  	s24 =	sadd.s32 @!p2 s25, s24  }
0x113: {  	s23 =	sadd.s32 @!p2 s23, s24  }
0x114: {  	s28 =	sor.u32 $0x1, s22;
	s26 =	simm.s32 @!p2 $0x5080;
	s23 =	sshrl.u32 @!p2 s23, $0x3  }
0x115: {  	s25 =	simm.s32 @!p2 $0x0;
	s24 =	smulhi.u32 $0x55555556, s28;
	s23 =	sadd.s32 @!p2 s2, s23  }
0x116: {  	[tilespmem:s26], [sflag:$0x1] =	stream.linear.gather @!p2 [hbm4b:s23+s25], $0xC000, $0x38;
	[tilespmem:$0x1F080] =	vst v63  }
0x117: {  	s30 =	smul.u32 $0x3, s24;
	_ =	swait.ge [sflag:s14], $0xC000  }
0x118: {  	[sflag:s14] =	ssyncset.done $0x0  }
0x119: {  	s25 =	ssub.s32 s28, s30;
	[sflag:s14] =	ssyncadd.s32 $0xFFFF4000  }
0x11a: {  	s23 =	sld [smem:s25+$0x0];
	_ =	sdelay $0x2  }
0x11b: {  	p1 =	sne.s32 @!p0 s25, $0x0;
	s29 =	sshrl.u32 s23, $0x4  }
0x11c: {  	p0 =	por p1, p0;
	p1 =	seq.s32 s29, $0x0  }
.Ltmp10:
0x11d: {  	_ = 	snop;
	(pc) =	sbr.rel @p1 .LBB2_16-.Ltmp10, $4  }
0x11e: {  	s26 =	simm.s32 @!p0 $0x3  }
0x11f: {  	_ =	swait.ge @!p0 [sflag:s26], $0x1000  }
0x120: {  	s31 =	sshll.u32 s24, $0xC;
	[sflag:s26] =	ssyncset.done @!p0 $0x0  }
0x121: {  	s22 =	sand.u32 $0x1000, s31;
	[sflag:s26] =	ssyncadd.s32 @!p0 $0xFFFFF000  }
0x122: {  	s26 =	smulhi.u32 $0xAAAAAAAB, s20;
	_ =	sdelay $0x1  }
0x123: {  	s26 =	sshrl.u32 s26, $0x1  }
0x124: {  	s26 =	smul.u32 $0xFFFF3F40, s26;
	_ =	sdelay $0x1  }
0x125: {  	s26 =	sshra.s32 s26, $0x2  }
0x126: {  	p0 =	sne.s32 s29, $0x1;
	s28 =	sadd.s32 s26, s19  }
.Ltmp11:
0x127: {  	v2 =	vld [tilespmem:s28+$0x0];
	(pc) =	sbr.rel @!p0 .LBB2_15-.Ltmp11, $2  }
0x128: {  	_ =	sdelay $0x2  }
0x129: {  	s29 =	sadd.s32 $0xFFFFFFFF, s29;
	s26 =	sadd.s32 $0x1D080, s22  }
.LBB2_14:
0x12a: {  	p0 =	sne.s32 s29, $0x1;
	_ =	sdelay $0x3  }
0x12b: {  	v3 =	vshrl.u32 v2, $0xC  }
0x12c: {  	v3 =	vand.u32 $0xF, v3  }
0x12d: {  	v4 =	vshll.u32 v2, $0x3;
	v3 =	vmul.u32 $0xC00, v3  }
0x12e: {  	v5 =	vshrl.u32 v2, $0x2;
	v4 =	vand.u32 $0xC00, v4  }
0x12f: {  	v3 =	vadd.s32 v4, v3;
	v4 =	vand.u32 $0x380, v5  }
0x130: {  	v5 =	vand.u32 $0x7F, v2;
	v3 =	vor.u32 v4, v3  }
0x131: {  	v3 =	vor.u32 v5, v3;
	_ =	sdelay $0x4  }
0x132: {  	v3 =	vld.idx.msk [tilespmem:v3+s12+$0x0], $0xffff  }
0x133: {  	v2 =	vshrl.u32 v2, $0x10;
	_ =	sdelay $0x1  }
.Ltmp12:
0x134: {  	(pc) =	sbr.rel @p0 .LBB2_14-.Ltmp12, $3  }
0x135: {  	_ =	sdelay $0x1  }
0x136: {  	s28 =	sadd.s32 $0x10, s28;
	[tilespmem:v2+s26+$0x0] =	vst.idx.msk $0xffff, v3  }
0x137: {  	s29 =	sadd.s32 $0xFFFFFFFF, s29;
	v2 =	vld [tilespmem:s28+$0x0]  }
.Ltmp13:
0x138: {  	_ = 	snop;
	(pc) =	sbr.rel .LBB2_15-.Ltmp13, $1  }
0x139: {  	_ =	sdelay $0x3  }
.LBB2_18:
0x13a: {  	_ =	sfence.sel $0x180000  }
0x13b: {  	[bflag:$0x0] =	sbarrier.arrive $0xFFFF  }
0x13c: {  	p0 =	sne.s32 s0, $0x0;
	_ =	strace $0x90000047  }
0x13d: {  	s0 =	sadd.s32 @!p0 $0x100000, s3;
	[bflag:$0x2] =	sbarrier.arrive $0xFFFF  }
0x13e: {  	[sflag:s0] =	ssyncadd.tile.s32 @!p0 $0x1;
	_ =	shalt  }
.Lfunc_end2:
_tile_overlayer_lowered:
.L_overlay_start_2:
0x13f: {  	(tag) =	ssettag $0x2  }
0x140: {  	s0 =	rddreg [dreg:$0x0];
	s2 =	stileid.u32  }
0x141: {  	s1 =	rddreg [dreg:$0x1];
	p0 =	sne.s32 s2, $0x0  }
0x142: {  	s3 =	rddreg [dreg:$0x2];
	[bflag:$0x3] =	sbarrier.arrive $0xFFFF;
	s2 =	simm.s32 @!p0 $0x1C04  }
0x143: {  	[timem:s3], [sflag:s2] =	dma.local @!p0 [hbm:s0], s1  }
0x144: {  	s0 =	simm.s32 @!p0 $0x4  }
0x145: {  	_ =	swait.ge @!p0 [sflag:s0], s1  }
0x146: {  	s1 =	ssub.s32 @!p0 $0x0, s1;
	[sflag:s0] =	ssyncset.done @!p0 $0x0  }
0x147: {  	[sflag:s0] =	ssyncadd.s32 @!p0 s1  }
0x148: {  	[bflag:$0x3] =	sbarrier.arrive $0xFFFF  }
0x149: {  	_ =	shalt  }

</sc_bundles>
